<compile_context>
chip_gen: v7x
topology: tpu7x:2x2x1
jax: 0.10.2.dev20260603
libtpu: 0.0.44.dev20260713+nightly
codegen_flags: <defaults>
</compile_context>

<pallas_src>
import functools

import jax
import jax.numpy as jnp
from jax import lax
from jax.experimental import pallas as pl
from jax.experimental.pallas import tpu as pltpu
from jax.experimental.pallas import tpu_sc as plsc

_N = 10000
_E = 320000
_H = 128
_VOCAB = 128
_NC = 6

_NCORES = 2
_NSUB = 16
_NW = _NCORES * _NSUB
_EPW = _E // _NW
_C = 80
_NCHUNK = 125
_NP = 10240
_RPS = _NP // _NSUB


def _msg_body(xn_hbm, src_hbm, dst_hbm, zeros_hbm, out_hbm,
              src_v, dst_v, rows_v, agg_sh, gsem):
    c = lax.axis_index("c")
    s = lax.axis_index("s")
    wid = s * _NCORES + c

    pltpu.sync_copy(zeros_hbm, agg_sh.at[pl.ds(s * _RPS, _RPS)])
    pltpu.sync_copy(src_hbm.at[wid], src_v)
    pltpu.sync_copy(dst_hbm.at[wid], dst_v)
    plsc.subcore_barrier()

    def body(j, carry):
        pltpu.async_copy(xn_hbm.at[src_v.at[j]], rows_v, gsem).wait()
        pltpu.sync_copy(rows_v, agg_sh.at[dst_v.at[j]], add=True)
        return carry

    lax.fori_loop(0, _NCHUNK, body, 0, unroll=False)

    plsc.subcore_barrier()
    pltpu.sync_copy(agg_sh.at[pl.ds(s * _RPS, _RPS)],
                    out_hbm.at[c, pl.ds(s * _RPS, _RPS)])


def _deg_body(dst_hbm, ones_hbm, zeros_hbm, out_hbm,
              dst_v, ones_v, deg_sh):
    c = lax.axis_index("c")
    s = lax.axis_index("s")
    wid = s * _NCORES + c

    pltpu.sync_copy(zeros_hbm, deg_sh.at[pl.ds(s * _RPS, _RPS)])
    pltpu.sync_copy(dst_hbm.at[wid], dst_v)
    pltpu.sync_copy(ones_hbm, ones_v)
    plsc.subcore_barrier()

    def body(j, carry):
        pltpu.sync_copy(ones_v, deg_sh.at[dst_v.at[j]], add=True)
        return carry

    lax.fori_loop(0, _NCHUNK, body, 0, unroll=False)

    plsc.subcore_barrier()
    pltpu.sync_copy(deg_sh.at[pl.ds(s * _RPS, _RPS)],
                    out_hbm.at[c, pl.ds(s * _RPS, _RPS)])


@functools.cache
def _sc_kernels():
    mesh = plsc.VectorSubcoreMesh(core_axis_name="c", subcore_axis_name="s",
                                  num_cores=_NCORES, num_subcores=_NSUB)
    msg = pl.kernel(
        _msg_body,
        out_type=jax.ShapeDtypeStruct((_NCORES, _NP, _H), jnp.float32),
        mesh=mesh,
        scratch_types=[
            pltpu.VMEM((_NCHUNK, _C), jnp.int32),
            pltpu.VMEM((_NCHUNK, _C), jnp.int32),
            pltpu.VMEM((_C, _H), jnp.float32),
            pltpu.VMEM_SHARED((_NP, _H), jnp.float32),
            pltpu.SemaphoreType.DMA,
        ],
    )
    deg = pl.kernel(
        _deg_body,
        out_type=jax.ShapeDtypeStruct((_NCORES, _NP, _H), jnp.float32),
        mesh=mesh,
        scratch_types=[
            pltpu.VMEM((_NCHUNK, _C), jnp.int32),
            pltpu.VMEM((_C, _H), jnp.float32),
            pltpu.VMEM_SHARED((_NP, _H), jnp.float32),
        ],
    )
    return msg, deg



def _prep_body(h_ref, emb_ref, degp_ref, x_ref, xn_ref, norm_ref):
    h = h_ref[...]
    oh = (h == lax.broadcasted_iota(jnp.int32, (_N, _VOCAB), 1))
    x = jnp.dot(oh.astype(jnp.float32), emb_ref[...],
                preferred_element_type=jnp.float32)
    deg = degp_ref[0, 0:_N, 0:1] + degp_ref[1, 0:_N, 0:1]
    norm = jnp.where(deg > 0, lax.rsqrt(jnp.maximum(deg, 1.0)), 0.0)
    x_ref[...] = x
    xn_ref[...] = jnp.concatenate(
        [x * norm, jnp.zeros((_NP - _N, _H), jnp.float32)])
    norm_ref[...] = norm


_prep_tc = pl.pallas_call(
    _prep_body,
    out_shape=[
        jax.ShapeDtypeStruct((_N, _H), jnp.float32),
        jax.ShapeDtypeStruct((_NP, _H), jnp.float32),
        jax.ShapeDtypeStruct((_N, 1), jnp.float32),
    ],
)


def _dense_core(x, p_ref, norm, W0_ref, W1_ref, b_ref, g_ref, bt_ref, sn_ref):
    agg = (p_ref[0, 0:_N, :] + p_ref[1, 0:_N, :]) * norm
    t = (jnp.dot(x, W0_ref[...], preferred_element_type=jnp.float32)
         - jnp.dot(agg, W1_ref[...], preferred_element_type=jnp.float32)
         + b_ref[...])
    t = t * sn_ref[...]
    mu = jnp.mean(t, axis=0, keepdims=True)
    tc = t - mu
    var = jnp.mean(tc * tc, axis=0, keepdims=True)
    th = tc * lax.rsqrt(var + 1e-5) * g_ref[...] + bt_ref[...]
    return x + jnp.maximum(th, 0.0)


def _dense_body(x_ref, p_ref, norm_ref, W0_ref, W1_ref, b_ref, g_ref, bt_ref,
                sn_ref, xo_ref, xno_ref):
    norm = norm_ref[...]
    xo = _dense_core(x_ref[...], p_ref, norm, W0_ref, W1_ref, b_ref, g_ref,
                     bt_ref, sn_ref)
    xo_ref[...] = xo
    xno_ref[...] = jnp.concatenate(
        [xo * norm, jnp.zeros((_NP - _N, _H), jnp.float32)])


_dense_tc = pl.pallas_call(
    _dense_body,
    out_shape=[
        jax.ShapeDtypeStruct((_N, _H), jnp.float32),
        jax.ShapeDtypeStruct((_NP, _H), jnp.float32),
    ],
)


def _final_body(x_ref, p_ref, norm_ref, W0_ref, W1_ref, b_ref, g_ref, bt_ref,
                sn_ref, mW0_ref, mb0_ref, mW1_ref, mb1_ref, mW2_ref, mb2_ref,
                out_ref):
    xo = _dense_core(x_ref[...], p_ref, norm_ref[...], W0_ref, W1_ref, b_ref,
                     g_ref, bt_ref, sn_ref)
    y = jnp.maximum(jnp.dot(xo, mW0_ref[...],
                            preferred_element_type=jnp.float32)
                    + mb0_ref[...], 0.0)
    y = jnp.maximum(jnp.dot(y, mW1_ref[...],
                            preferred_element_type=jnp.float32)
                    + mb1_ref[...], 0.0)
    out_ref[...] = (jnp.dot(y, mW2_ref[...],
                            preferred_element_type=jnp.float32)
                    + mb2_ref[...])


_final_tc = pl.pallas_call(
    _final_body,
    out_shape=jax.ShapeDtypeStruct((_N, _NC), jnp.float32),
)



def kernel(edge_index, h, e, snorm_n, snorm_e, emb, W0, W1, b, gamma, beta,
           mW0, mb0, mW1, mb1, mW2, mb2):
    src3 = edge_index[0].astype(jnp.int32).reshape(_NW, _NCHUNK, _C)
    dst3 = edge_index[1].astype(jnp.int32).reshape(_NW, _NCHUNK, _C)
    zeros_h = jnp.zeros((_RPS, _H), jnp.float32)
    ones_r = jnp.ones((_C, _H), jnp.float32)
    h2d = h.astype(jnp.int32).reshape(_N, 1)
    _msg_kernel, _deg_kernel = _sc_kernels()

    degp = _deg_kernel(dst3, ones_r, zeros_h)
    x, xn, norm = _prep_tc(h2d, emb, degp)

    for l in range(3):
        p = _msg_kernel(xn, src3, dst3, zeros_h)
        x, xn = _dense_tc(x, p, norm, W0[l], W1[l], b[l].reshape(1, _H),
                          gamma[l].reshape(1, _H), beta[l].reshape(1, _H),
                          snorm_n)

    p = _msg_kernel(xn, src3, dst3, zeros_h)
    out = _final_tc(x, p, norm, W0[3], W1[3], b[3].reshape(1, _H),
                    gamma[3].reshape(1, _H), beta[3].reshape(1, _H),
                    snorm_n, mW0, mb0.reshape(1, _H // 2),
                    mW1, mb1.reshape(1, _H // 4), mW2, mb2.reshape(1, _NC))
    return out

# --- scband reference (transcript-rebuilt; emitter-appended) ---
"""Pipeline reference for scband-cheb-net-65919158059660 (READ-ONLY COPY).

The authoritative reference and input builder live on the scoring server;
editing this copy changes nothing except your own understanding.
"""

import jax, jax.numpy as jnp
import numpy as np

N = 10000
E = 320000
H = 128
VOCAB = 128
L = 4
NC = 6


def setup_inputs(seed: int = 0) -> dict:
    key = jax.random.key(seed)
    ks = jax.random.split(key, 20)
    edge_index = jax.random.randint(ks[0], (2, E), 0, N)
    h = jax.random.randint(ks[1], (N,), 0, VOCAB)
    e = jax.random.normal(ks[2], (E, 4), dtype=jnp.float32)
    snorm_n = jax.random.uniform(ks[3], (N, 1), dtype=jnp.float32)
    snorm_e = jax.random.uniform(ks[4], (E, 1), dtype=jnp.float32)
    emb = jax.random.normal(ks[5], (VOCAB, H), dtype=jnp.float32) * 0.1
    W0 = jax.random.normal(ks[6], (L, H, H), dtype=jnp.float32) * (1.0 / np.sqrt(H))
    W1 = jax.random.normal(ks[7], (L, H, H), dtype=jnp.float32) * (1.0 / np.sqrt(H))
    b = jnp.zeros((L, H), dtype=jnp.float32)
    gamma = jnp.ones((L, H), dtype=jnp.float32)
    beta = jnp.zeros((L, H), dtype=jnp.float32)
    mW0 = jax.random.normal(ks[8], (H, H // 2), dtype=jnp.float32) * (1.0 / np.sqrt(H))
    mb0 = jnp.zeros((H // 2,), dtype=jnp.float32)
    mW1 = jax.random.normal(ks[9], (H // 2, H // 4), dtype=jnp.float32) * (1.0 / np.sqrt(H // 2))
    mb1 = jnp.zeros((H // 4,), dtype=jnp.float32)
    mW2 = jax.random.normal(ks[10], (H // 4, NC), dtype=jnp.float32) * (1.0 / np.sqrt(H // 4))
    mb2 = jnp.zeros((NC,), dtype=jnp.float32)
    return {"edge_index": edge_index, "h": h, "e": e, "snorm_n": snorm_n, "snorm_e": snorm_e,
            "emb": emb, "W0": W0, "W1": W1, "b": b, "gamma": gamma, "beta": beta,
            "mW0": mW0, "mb0": mb0, "mW1": mW1, "mb1": mb1, "mW2": mW2, "mb2": mb2}


def reference(edge_index, h, e, snorm_n, snorm_e, emb, W0, W1, b, gamma, beta,
              mW0, mb0, mW1, mb1, mW2, mb2):
    src = edge_index[0]
    dst = edge_index[1]
    n_edges = src.shape[0]
    deg = jax.ops.segment_sum(jnp.ones((n_edges,), jnp.float32), dst, num_segments=N)
    norm = jnp.where(deg > 0, 1.0 / jnp.sqrt(jnp.maximum(deg, 1.0)), 0.0)
    # embedding lookup (gather)
    x = emb[h]
    for l in range(L):
        x_in = x
        # Chebyshev K=2 propagation: Tx0 = x, Tx1 = L_hat x ~ -D^-1/2 A D^-1/2 x
        msg = x[src] * norm[src][:, None]
        agg = jax.ops.segment_sum(msg, dst, num_segments=N) * norm[:, None]
        x = x @ W0[l] + (-agg) @ W1[l] + b[l]
        # graph_norm
        x = x * snorm_n
        # batch_norm (batch statistics over nodes)
        mu = jnp.mean(x, axis=0)
        var = jnp.var(x, axis=0)
        x = (x - mu) / jnp.sqrt(var + 1e-5) * gamma[l] + beta[l]
        x = jax.nn.relu(x)
        # residual
        x = x_in + x
    # MLPReadout: H -> H/2 -> H/4 -> n_classes
    y = jax.nn.relu(x @ mW0 + mb0)
    y = jax.nn.relu(y @ mW1 + mb1)
    out = y @ mW2 + mb2
    return out

if __name__ == "__main__":
    import jax
    _d = setup_inputs()
    print(jax.jit(kernel)(*tuple(_d.values())))

</pallas_src>

<mosaic_0001>
#map = affine_map<(d0, d1) -> (0, 0, 0)>
#map1 = affine_map<(d0, d1) -> (0, 0)>
module attributes {stable_mosaic.version = 14 : i64} {
  func.func @_deg_body(%arg0: i32, %arg1: i32, %arg2: memref<32x125x80xi32, #tpu.memory_space<hbm>>, %arg3: memref<80x128xf32, #tpu.memory_space<hbm>>, %arg4: memref<640x128xf32, #tpu.memory_space<hbm>>, %arg5: memref<2x10240x128xf32, #tpu.memory_space<hbm>>, %arg6: memref<125x80xi32, #tpu.memory_space<vmem>>, %arg7: memref<80x128xf32, #tpu.memory_space<vmem>>, %arg8: memref<10240x128xf32, #tpu.memory_space<vmem_shared>>) attributes {dimension_semantics = [#tpu.dimension_semantics<core_parallel>, #tpu.dimension_semantics<subcore_parallel>], iteration_bounds = array<i64: 2, 16>, scalar_prefetch = 0 : i64, scratch_operands = 3 : i64, tpu.core_type = #tpu.core_type<sc_vector_subcore>, window_params = [{transform_indices = #map}, {transform_indices = #map1}, {transform_indices = #map1}, {transform_indices = #map}]} {
    %mul3A = arith.constant 2 : i32
    %mul3A_0 = arith.muli %arg1, %mul3A : i32
    %add3A = arith.addi %mul3A_0, %arg0 : i32
    %mul3A_1 = arith.constant 640 : i32
    %mul3A_2 = arith.muli %arg1, %mul3A_1 : i32
    "tpu.region"() ({
      %run_scoped3A = tpu.sem_alloc : memref<!tpu.dma_semaphore, #tpu.memory_space<semaphore_mem>>
      %dma_start3A = arith.constant 0 : i32
      %dma_start3A_13 = tpu.memref_slice %arg8[%mul3A_2, %dma_start3A] : memref<10240x128xf32, #tpu.memory_space<vmem_shared>> -> memref<640x128xf32, #tpu.memory_space<vmem_shared>>
      tpu.enqueue_dma source(%arg4 : memref<640x128xf32, #tpu.memory_space<hbm>>) target(%dma_start3A_13 : memref<640x128xf32, #tpu.memory_space<vmem_shared>>) target_semaphore(%run_scoped3A : memref<!tpu.dma_semaphore, #tpu.memory_space<semaphore_mem>>)
      %dma_wait3A = arith.constant 0 : i32
      %dma_wait3A_14 = tpu.memref_slice %arg8[%mul3A_2, %dma_wait3A] : memref<10240x128xf32, #tpu.memory_space<vmem_shared>> -> memref<640x128xf32, #tpu.memory_space<vmem_shared>>
      tpu.wait_dma2 semaphore(%run_scoped3A : memref<!tpu.dma_semaphore, #tpu.memory_space<semaphore_mem>>) src(%arg4 : memref<640x128xf32, #tpu.memory_space<hbm>>) dst(%dma_wait3A_14 : memref<640x128xf32, #tpu.memory_space<vmem_shared>>)
      tpu.yield
    }) : () -> ()
    "tpu.region"() ({
      %run_scoped3A = tpu.sem_alloc : memref<!tpu.dma_semaphore, #tpu.memory_space<semaphore_mem>>
      %dma_start3A = arith.constant 0 : i32
      %dma_start3A_13 = arith.constant 0 : i32
      %dma_start3A_14 = tpu.memref_slice %arg2[%add3A, %dma_start3A, %dma_start3A_13] : memref<32x125x80xi32, #tpu.memory_space<hbm>> -> memref<1x125x80xi32, #tpu.memory_space<hbm>>
      %dma_start3A_15 = tpu.memref_squeeze %dma_start3A_14 : memref<1x125x80xi32, #tpu.memory_space<hbm>> -> memref<125x80xi32, #tpu.memory_space<hbm>>
      %dma_start3A_16 = arith.constant 0 : i32
      %dma_start3A_17 = arith.constant 0 : i32
      %dma_start3A_18 = tpu.memref_slice %arg2[%add3A, %dma_start3A_16, %dma_start3A_17] : memref<32x125x80xi32, #tpu.memory_space<hbm>> -> memref<1x125x80xi32, #tpu.memory_space<hbm>>
      %dma_start3A_19 = tpu.memref_squeeze %dma_start3A_18 : memref<1x125x80xi32, #tpu.memory_space<hbm>> -> memref<125x80xi32, #tpu.memory_space<hbm>>
      tpu.enqueue_dma source(%dma_start3A_19 : memref<125x80xi32, #tpu.memory_space<hbm>>) target(%arg6 : memref<125x80xi32, #tpu.memory_space<vmem>>) target_semaphore(%run_scoped3A : memref<!tpu.dma_semaphore, #tpu.memory_space<semaphore_mem>>)
      %dma_wait3A = arith.constant 0 : i32
      %dma_wait3A_20 = arith.constant 0 : i32
      %dma_wait3A_21 = tpu.memref_slice %arg2[%add3A, %dma_wait3A, %dma_wait3A_20] : memref<32x125x80xi32, #tpu.memory_space<hbm>> -> memref<1x125x80xi32, #tpu.memory_space<hbm>>
      %dma_wait3A_22 = tpu.memref_squeeze %dma_wait3A_21 : memref<1x125x80xi32, #tpu.memory_space<hbm>> -> memref<125x80xi32, #tpu.memory_space<hbm>>
      %dma_wait3A_23 = arith.constant 0 : i32
      %dma_wait3A_24 = arith.constant 0 : i32
      %dma_wait3A_25 = tpu.memref_slice %arg2[%add3A, %dma_wait3A_23, %dma_wait3A_24] : memref<32x125x80xi32, #tpu.memory_space<hbm>> -> memref<1x125x80xi32, #tpu.memory_space<hbm>>
      %dma_wait3A_26 = tpu.memref_squeeze %dma_wait3A_25 : memref<1x125x80xi32, #tpu.memory_space<hbm>> -> memref<125x80xi32, #tpu.memory_space<hbm>>
      tpu.wait_dma2 semaphore(%run_scoped3A : memref<!tpu.dma_semaphore, #tpu.memory_space<semaphore_mem>>) src(%dma_wait3A_26 : memref<125x80xi32, #tpu.memory_space<hbm>>) dst(%arg6 : memref<125x80xi32, #tpu.memory_space<vmem>>)
      tpu.yield
    }) : () -> ()
    "tpu.region"() ({
      %run_scoped3A = tpu.sem_alloc : memref<!tpu.dma_semaphore, #tpu.memory_space<semaphore_mem>>
      tpu.enqueue_dma source(%arg3 : memref<80x128xf32, #tpu.memory_space<hbm>>) target(%arg7 : memref<80x128xf32, #tpu.memory_space<vmem>>) target_semaphore(%run_scoped3A : memref<!tpu.dma_semaphore, #tpu.memory_space<semaphore_mem>>)
      tpu.wait_dma2 semaphore(%run_scoped3A : memref<!tpu.dma_semaphore, #tpu.memory_space<semaphore_mem>>) src(%arg3 : memref<80x128xf32, #tpu.memory_space<hbm>>) dst(%arg7 : memref<80x128xf32, #tpu.memory_space<vmem>>)
      tpu.yield
    }) : () -> ()
    %barrier3A = arith.constant 0 : index
    tpu.barrier barrier_id(%barrier3A)
    %scan3A = arith.constant 0 : i32
    %scan3A_3 = arith.constant 0 : i32
    %scan3A_4 = arith.constant 125 : i32
    %scan3A_5 = arith.addi %scan3A_3, %scan3A_4 : i32
    %scan3A_6 = arith.constant 1 : i32
    scf.for %scan3A_13 = %scan3A_3 to %scan3A_5 step %scan3A_6  : i32 {
      "tpu.region"() ({
        %run_scoped3A = tpu.sem_alloc : memref<!tpu.dma_semaphore, #tpu.memory_space<semaphore_mem>>
        %dma_start3A = arith.constant 0 : i32
        %dma_start3A_14 = tpu.memref_slice %arg6[%scan3A_13, %dma_start3A] : memref<125x80xi32, #tpu.memory_space<vmem>> -> memref<1x80xi32, #tpu.memory_space<vmem>>
        %dma_start3A_15 = tpu.memref_squeeze %dma_start3A_14 : memref<1x80xi32, #tpu.memory_space<vmem>> -> memref<80xi32, #tpu.memory_space<vmem>>
        %dma_start3A_16 = arith.constant 0 : i32
        %dma_start3A_17 = arith.constant 0 : i32
        %dma_start3A_18 = tpu.memref_slice %arg8[%dma_start3A_16, %dma_start3A_17] : memref<10240x128xf32, #tpu.memory_space<vmem_shared>> -> memref<10240x128xf32, #tpu.memory_space<vmem_shared>>
        tpu.enqueue_indirect_dma source(%arg7 : memref<80x128xf32, #tpu.memory_space<vmem>>) target(%dma_start3A_18 : memref<10240x128xf32, #tpu.memory_space<vmem_shared>>) offsets(%dma_start3A_15 : memref<80xi32, #tpu.memory_space<vmem>>) semaphore(%run_scoped3A : memref<!tpu.dma_semaphore, #tpu.memory_space<semaphore_mem>>) {add = true}
        %dma_wait3A = arith.constant 0 : i32
        %dma_wait3A_19 = tpu.memref_slice %arg6[%scan3A_13, %dma_wait3A] : memref<125x80xi32, #tpu.memory_space<vmem>> -> memref<1x80xi32, #tpu.memory_space<vmem>>
        %dma_wait3A_20 = tpu.memref_squeeze %dma_wait3A_19 : memref<1x80xi32, #tpu.memory_space<vmem>> -> memref<80xi32, #tpu.memory_space<vmem>>
        %dma_wait3A_21 = arith.constant 0 : i32
        %dma_wait3A_22 = arith.constant 0 : i32
        %dma_wait3A_23 = tpu.memref_slice %arg8[%dma_wait3A_21, %dma_wait3A_22] : memref<10240x128xf32, #tpu.memory_space<vmem_shared>> -> memref<10240x128xf32, #tpu.memory_space<vmem_shared>>
        tpu.wait_indirect_dma semaphore(%run_scoped3A : memref<!tpu.dma_semaphore, #tpu.memory_space<semaphore_mem>>) src(%arg7 : memref<80x128xf32, #tpu.memory_space<vmem>>) dst(%dma_wait3A_23 : memref<10240x128xf32, #tpu.memory_space<vmem_shared>>)
        tpu.yield
      }) : () -> ()
    }
    %scan3A_7 = arith.constant 125 : i32
    %barrier3A_8 = arith.constant 0 : index
    tpu.barrier barrier_id(%barrier3A_8)
    %mul3A_9 = arith.constant 640 : i32
    %mul3A_10 = arith.muli %arg1, %mul3A_9 : i32
    %mul3A_11 = arith.constant 640 : i32
    %mul3A_12 = arith.muli %arg1, %mul3A_11 : i32
    "tpu.region"() ({
      %run_scoped3A = tpu.sem_alloc : memref<!tpu.dma_semaphore, #tpu.memory_space<semaphore_mem>>
      %dma_start3A = arith.constant 0 : i32
      %dma_start3A_13 = tpu.memref_slice %arg5[%arg0, %mul3A_12, %dma_start3A] : memref<2x10240x128xf32, #tpu.memory_space<hbm>> -> memref<1x640x128xf32, #tpu.memory_space<hbm>>
      %dma_start3A_14 = tpu.memref_squeeze %dma_start3A_13 : memref<1x640x128xf32, #tpu.memory_space<hbm>> -> memref<640x128xf32, #tpu.memory_space<hbm>>
      %dma_start3A_15 = arith.constant 0 : i32
      %dma_start3A_16 = tpu.memref_slice %arg8[%mul3A_10, %dma_start3A_15] : memref<10240x128xf32, #tpu.memory_space<vmem_shared>> -> memref<640x128xf32, #tpu.memory_space<vmem_shared>>
      tpu.enqueue_dma source(%dma_start3A_16 : memref<640x128xf32, #tpu.memory_space<vmem_shared>>) target(%dma_start3A_14 : memref<640x128xf32, #tpu.memory_space<hbm>>) target_semaphore(%run_scoped3A : memref<!tpu.dma_semaphore, #tpu.memory_space<semaphore_mem>>)
      %dma_wait3A = arith.constant 0 : i32
      %dma_wait3A_17 = tpu.memref_slice %arg5[%arg0, %mul3A_12, %dma_wait3A] : memref<2x10240x128xf32, #tpu.memory_space<hbm>> -> memref<1x640x128xf32, #tpu.memory_space<hbm>>
      %dma_wait3A_18 = tpu.memref_squeeze %dma_wait3A_17 : memref<1x640x128xf32, #tpu.memory_space<hbm>> -> memref<640x128xf32, #tpu.memory_space<hbm>>
      %dma_wait3A_19 = arith.constant 0 : i32
      %dma_wait3A_20 = tpu.memref_slice %arg8[%mul3A_10, %dma_wait3A_19] : memref<10240x128xf32, #tpu.memory_space<vmem_shared>> -> memref<640x128xf32, #tpu.memory_space<vmem_shared>>
      tpu.wait_dma2 semaphore(%run_scoped3A : memref<!tpu.dma_semaphore, #tpu.memory_space<semaphore_mem>>) src(%dma_wait3A_20 : memref<640x128xf32, #tpu.memory_space<vmem_shared>>) dst(%dma_wait3A_18 : memref<640x128xf32, #tpu.memory_space<hbm>>)
      tpu.yield
    }) : () -> ()
    return
  }
}

#map = affine_map<(d0, d1) -> (0, 0)>
#map1 = affine_map<(d0, d1) -> (0, 0, 0)>
module attributes {stable_mosaic.version = 14 : i64} {
  func.func @_msg_body(%arg0: i32, %arg1: i32, %arg2: memref<10240x128xf32, #tpu.memory_space<hbm>>, %arg3: memref<32x125x80xi32, #tpu.memory_space<hbm>>, %arg4: memref<32x125x80xi32, #tpu.memory_space<hbm>>, %arg5: memref<640x128xf32, #tpu.memory_space<hbm>>, %arg6: memref<2x10240x128xf32, #tpu.memory_space<hbm>>, %arg7: memref<125x80xi32, #tpu.memory_space<vmem>>, %arg8: memref<125x80xi32, #tpu.memory_space<vmem>>, %arg9: memref<80x128xf32, #tpu.memory_space<vmem>>, %arg10: memref<10240x128xf32, #tpu.memory_space<vmem_shared>>, %arg11: memref<!tpu.dma_semaphore, #tpu.memory_space<semaphore_mem>>) attributes {dimension_semantics = [#tpu.dimension_semantics<core_parallel>, #tpu.dimension_semantics<subcore_parallel>], iteration_bounds = array<i64: 2, 16>, scalar_prefetch = 0 : i64, scratch_operands = 5 : i64, tpu.core_type = #tpu.core_type<sc_vector_subcore>, window_params = [{transform_indices = #map}, {transform_indices = #map1}, {transform_indices = #map1}, {transform_indices = #map}, {transform_indices = #map1}]} {
    %mul3A = arith.constant 2 : i32
    %mul3A_0 = arith.muli %arg1, %mul3A : i32
    %add3A = arith.addi %mul3A_0, %arg0 : i32
    %mul3A_1 = arith.constant 640 : i32
    %mul3A_2 = arith.muli %arg1, %mul3A_1 : i32
    "tpu.region"() ({
      %run_scoped3A = tpu.sem_alloc : memref<!tpu.dma_semaphore, #tpu.memory_space<semaphore_mem>>
      %dma_start3A = arith.constant 0 : i32
      %dma_start3A_13 = tpu.memref_slice %arg10[%mul3A_2, %dma_start3A] : memref<10240x128xf32, #tpu.memory_space<vmem_shared>> -> memref<640x128xf32, #tpu.memory_space<vmem_shared>>
      tpu.enqueue_dma source(%arg5 : memref<640x128xf32, #tpu.memory_space<hbm>>) target(%dma_start3A_13 : memref<640x128xf32, #tpu.memory_space<vmem_shared>>) target_semaphore(%run_scoped3A : memref<!tpu.dma_semaphore, #tpu.memory_space<semaphore_mem>>)
      %dma_wait3A = arith.constant 0 : i32
      %dma_wait3A_14 = tpu.memref_slice %arg10[%mul3A_2, %dma_wait3A] : memref<10240x128xf32, #tpu.memory_space<vmem_shared>> -> memref<640x128xf32, #tpu.memory_space<vmem_shared>>
      tpu.wait_dma2 semaphore(%run_scoped3A : memref<!tpu.dma_semaphore, #tpu.memory_space<semaphore_mem>>) src(%arg5 : memref<640x128xf32, #tpu.memory_space<hbm>>) dst(%dma_wait3A_14 : memref<640x128xf32, #tpu.memory_space<vmem_shared>>)
      tpu.yield
    }) : () -> ()
    "tpu.region"() ({
      %run_scoped3A = tpu.sem_alloc : memref<!tpu.dma_semaphore, #tpu.memory_space<semaphore_mem>>
      %dma_start3A = arith.constant 0 : i32
      %dma_start3A_13 = arith.constant 0 : i32
      %dma_start3A_14 = tpu.memref_slice %arg3[%add3A, %dma_start3A, %dma_start3A_13] : memref<32x125x80xi32, #tpu.memory_space<hbm>> -> memref<1x125x80xi32, #tpu.memory_space<hbm>>
      %dma_start3A_15 = tpu.memref_squeeze %dma_start3A_14 : memref<1x125x80xi32, #tpu.memory_space<hbm>> -> memref<125x80xi32, #tpu.memory_space<hbm>>
      %dma_start3A_16 = arith.constant 0 : i32
      %dma_start3A_17 = arith.constant 0 : i32
      %dma_start3A_18 = tpu.memref_slice %arg3[%add3A, %dma_start3A_16, %dma_start3A_17] : memref<32x125x80xi32, #tpu.memory_space<hbm>> -> memref<1x125x80xi32, #tpu.memory_space<hbm>>
      %dma_start3A_19 = tpu.memref_squeeze %dma_start3A_18 : memref<1x125x80xi32, #tpu.memory_space<hbm>> -> memref<125x80xi32, #tpu.memory_space<hbm>>
      tpu.enqueue_dma source(%dma_start3A_19 : memref<125x80xi32, #tpu.memory_space<hbm>>) target(%arg7 : memref<125x80xi32, #tpu.memory_space<vmem>>) target_semaphore(%run_scoped3A : memref<!tpu.dma_semaphore, #tpu.memory_space<semaphore_mem>>)
      %dma_wait3A = arith.constant 0 : i32
      %dma_wait3A_20 = arith.constant 0 : i32
      %dma_wait3A_21 = tpu.memref_slice %arg3[%add3A, %dma_wait3A, %dma_wait3A_20] : memref<32x125x80xi32, #tpu.memory_space<hbm>> -> memref<1x125x80xi32, #tpu.memory_space<hbm>>
      %dma_wait3A_22 = tpu.memref_squeeze %dma_wait3A_21 : memref<1x125x80xi32, #tpu.memory_space<hbm>> -> memref<125x80xi32, #tpu.memory_space<hbm>>
      %dma_wait3A_23 = arith.constant 0 : i32
      %dma_wait3A_24 = arith.constant 0 : i32
      %dma_wait3A_25 = tpu.memref_slice %arg3[%add3A, %dma_wait3A_23, %dma_wait3A_24] : memref<32x125x80xi32, #tpu.memory_space<hbm>> -> memref<1x125x80xi32, #tpu.memory_space<hbm>>
      %dma_wait3A_26 = tpu.memref_squeeze %dma_wait3A_25 : memref<1x125x80xi32, #tpu.memory_space<hbm>> -> memref<125x80xi32, #tpu.memory_space<hbm>>
      tpu.wait_dma2 semaphore(%run_scoped3A : memref<!tpu.dma_semaphore, #tpu.memory_space<semaphore_mem>>) src(%dma_wait3A_26 : memref<125x80xi32, #tpu.memory_space<hbm>>) dst(%arg7 : memref<125x80xi32, #tpu.memory_space<vmem>>)
      tpu.yield
    }) : () -> ()
    "tpu.region"() ({
      %run_scoped3A = tpu.sem_alloc : memref<!tpu.dma_semaphore, #tpu.memory_space<semaphore_mem>>
      %dma_start3A = arith.constant 0 : i32
      %dma_start3A_13 = arith.constant 0 : i32
      %dma_start3A_14 = tpu.memref_slice %arg4[%add3A, %dma_start3A, %dma_start3A_13] : memref<32x125x80xi32, #tpu.memory_space<hbm>> -> memref<1x125x80xi32, #tpu.memory_space<hbm>>
      %dma_start3A_15 = tpu.memref_squeeze %dma_start3A_14 : memref<1x125x80xi32, #tpu.memory_space<hbm>> -> memref<125x80xi32, #tpu.memory_space<hbm>>
      %dma_start3A_16 = arith.constant 0 : i32
      %dma_start3A_17 = arith.constant 0 : i32
      %dma_start3A_18 = tpu.memref_slice %arg4[%add3A, %dma_start3A_16, %dma_start3A_17] : memref<32x125x80xi32, #tpu.memory_space<hbm>> -> memref<1x125x80xi32, #tpu.memory_space<hbm>>
      %dma_start3A_19 = tpu.memref_squeeze %dma_start3A_18 : memref<1x125x80xi32, #tpu.memory_space<hbm>> -> memref<125x80xi32, #tpu.memory_space<hbm>>
      tpu.enqueue_dma source(%dma_start3A_19 : memref<125x80xi32, #tpu.memory_space<hbm>>) target(%arg8 : memref<125x80xi32, #tpu.memory_space<vmem>>) target_semaphore(%run_scoped3A : memref<!tpu.dma_semaphore, #tpu.memory_space<semaphore_mem>>)
      %dma_wait3A = arith.constant 0 : i32
      %dma_wait3A_20 = arith.constant 0 : i32
      %dma_wait3A_21 = tpu.memref_slice %arg4[%add3A, %dma_wait3A, %dma_wait3A_20] : memref<32x125x80xi32, #tpu.memory_space<hbm>> -> memref<1x125x80xi32, #tpu.memory_space<hbm>>
      %dma_wait3A_22 = tpu.memref_squeeze %dma_wait3A_21 : memref<1x125x80xi32, #tpu.memory_space<hbm>> -> memref<125x80xi32, #tpu.memory_space<hbm>>
      %dma_wait3A_23 = arith.constant 0 : i32
      %dma_wait3A_24 = arith.constant 0 : i32
      %dma_wait3A_25 = tpu.memref_slice %arg4[%add3A, %dma_wait3A_23, %dma_wait3A_24] : memref<32x125x80xi32, #tpu.memory_space<hbm>> -> memref<1x125x80xi32, #tpu.memory_space<hbm>>
      %dma_wait3A_26 = tpu.memref_squeeze %dma_wait3A_25 : memref<1x125x80xi32, #tpu.memory_space<hbm>> -> memref<125x80xi32, #tpu.memory_space<hbm>>
      tpu.wait_dma2 semaphore(%run_scoped3A : memref<!tpu.dma_semaphore, #tpu.memory_space<semaphore_mem>>) src(%dma_wait3A_26 : memref<125x80xi32, #tpu.memory_space<hbm>>) dst(%arg8 : memref<125x80xi32, #tpu.memory_space<vmem>>)
      tpu.yield
    }) : () -> ()
    %barrier3A = arith.constant 0 : index
    tpu.barrier barrier_id(%barrier3A)
    %scan3A = arith.constant 0 : i32
    %scan3A_3 = arith.constant 0 : i32
    %scan3A_4 = arith.constant 125 : i32
    %scan3A_5 = arith.addi %scan3A_3, %scan3A_4 : i32
    %scan3A_6 = arith.constant 1 : i32
    scf.for %scan3A_13 = %scan3A_3 to %scan3A_5 step %scan3A_6  : i32 {
      %dma_start3A = arith.constant 0 : i32
      %dma_start3A_14 = tpu.memref_slice %arg7[%scan3A_13, %dma_start3A] : memref<125x80xi32, #tpu.memory_space<vmem>> -> memref<1x80xi32, #tpu.memory_space<vmem>>
      %dma_start3A_15 = tpu.memref_squeeze %dma_start3A_14 : memref<1x80xi32, #tpu.memory_space<vmem>> -> memref<80xi32, #tpu.memory_space<vmem>>
      %dma_start3A_16 = arith.constant 0 : i32
      %dma_start3A_17 = arith.constant 0 : i32
      %dma_start3A_18 = tpu.memref_slice %arg2[%dma_start3A_16, %dma_start3A_17] : memref<10240x128xf32, #tpu.memory_space<hbm>> -> memref<10240x128xf32, #tpu.memory_space<hbm>>
      tpu.enqueue_indirect_dma source(%dma_start3A_18 : memref<10240x128xf32, #tpu.memory_space<hbm>>) target(%arg9 : memref<80x128xf32, #tpu.memory_space<vmem>>) offsets(%dma_start3A_15 : memref<80xi32, #tpu.memory_space<vmem>>) semaphore(%arg11 : memref<!tpu.dma_semaphore, #tpu.memory_space<semaphore_mem>>)
      %dma_wait3A = arith.constant 0 : i32
      %dma_wait3A_19 = tpu.memref_slice %arg7[%scan3A_13, %dma_wait3A] : memref<125x80xi32, #tpu.memory_space<vmem>> -> memref<1x80xi32, #tpu.memory_space<vmem>>
      %dma_wait3A_20 = tpu.memref_squeeze %dma_wait3A_19 : memref<1x80xi32, #tpu.memory_space<vmem>> -> memref<80xi32, #tpu.memory_space<vmem>>
      %dma_wait3A_21 = arith.constant 0 : i32
      %dma_wait3A_22 = arith.constant 0 : i32
      %dma_wait3A_23 = tpu.memref_slice %arg2[%dma_wait3A_21, %dma_wait3A_22] : memref<10240x128xf32, #tpu.memory_space<hbm>> -> memref<10240x128xf32, #tpu.memory_space<hbm>>
      tpu.wait_indirect_dma semaphore(%arg11 : memref<!tpu.dma_semaphore, #tpu.memory_space<semaphore_mem>>) src(%dma_wait3A_23 : memref<10240x128xf32, #tpu.memory_space<hbm>>) dst(%arg9 : memref<80x128xf32, #tpu.memory_space<vmem>>)
      "tpu.region"() ({
        %run_scoped3A = tpu.sem_alloc : memref<!tpu.dma_semaphore, #tpu.memory_space<semaphore_mem>>
        %dma_start3A_24 = arith.constant 0 : i32
        %dma_start3A_25 = tpu.memref_slice %arg8[%scan3A_13, %dma_start3A_24] : memref<125x80xi32, #tpu.memory_space<vmem>> -> memref<1x80xi32, #tpu.memory_space<vmem>>
        %dma_start3A_26 = tpu.memref_squeeze %dma_start3A_25 : memref<1x80xi32, #tpu.memory_space<vmem>> -> memref<80xi32, #tpu.memory_space<vmem>>
        %dma_start3A_27 = arith.constant 0 : i32
        %dma_start3A_28 = arith.constant 0 : i32
        %dma_start3A_29 = tpu.memref_slice %arg10[%dma_start3A_27, %dma_start3A_28] : memref<10240x128xf32, #tpu.memory_space<vmem_shared>> -> memref<10240x128xf32, #tpu.memory_space<vmem_shared>>
        tpu.enqueue_indirect_dma source(%arg9 : memref<80x128xf32, #tpu.memory_space<vmem>>) target(%dma_start3A_29 : memref<10240x128xf32, #tpu.memory_space<vmem_shared>>) offsets(%dma_start3A_26 : memref<80xi32, #tpu.memory_space<vmem>>) semaphore(%run_scoped3A : memref<!tpu.dma_semaphore, #tpu.memory_space<semaphore_mem>>) {add = true}
        %dma_wait3A_30 = arith.constant 0 : i32
        %dma_wait3A_31 = tpu.memref_slice %arg8[%scan3A_13, %dma_wait3A_30] : memref<125x80xi32, #tpu.memory_space<vmem>> -> memref<1x80xi32, #tpu.memory_space<vmem>>
        %dma_wait3A_32 = tpu.memref_squeeze %dma_wait3A_31 : memref<1x80xi32, #tpu.memory_space<vmem>> -> memref<80xi32, #tpu.memory_space<vmem>>
        %dma_wait3A_33 = arith.constant 0 : i32
        %dma_wait3A_34 = arith.constant 0 : i32
        %dma_wait3A_35 = tpu.memref_slice %arg10[%dma_wait3A_33, %dma_wait3A_34] : memref<10240x128xf32, #tpu.memory_space<vmem_shared>> -> memref<10240x128xf32, #tpu.memory_space<vmem_shared>>
        tpu.wait_indirect_dma semaphore(%run_scoped3A : memref<!tpu.dma_semaphore, #tpu.memory_space<semaphore_mem>>) src(%arg9 : memref<80x128xf32, #tpu.memory_space<vmem>>) dst(%dma_wait3A_35 : memref<10240x128xf32, #tpu.memory_space<vmem_shared>>)
        tpu.yield
      }) : () -> ()
    }
    %scan3A_7 = arith.constant 125 : i32
    %barrier3A_8 = arith.constant 0 : index
    tpu.barrier barrier_id(%barrier3A_8)
    %mul3A_9 = arith.constant 640 : i32
    %mul3A_10 = arith.muli %arg1, %mul3A_9 : i32
    %mul3A_11 = arith.constant 640 : i32
    %mul3A_12 = arith.muli %arg1, %mul3A_11 : i32
    "tpu.region"() ({
      %run_scoped3A = tpu.sem_alloc : memref<!tpu.dma_semaphore, #tpu.memory_space<semaphore_mem>>
      %dma_start3A = arith.constant 0 : i32
      %dma_start3A_13 = tpu.memref_slice %arg6[%arg0, %mul3A_12, %dma_start3A] : memref<2x10240x128xf32, #tpu.memory_space<hbm>> -> memref<1x640x128xf32, #tpu.memory_space<hbm>>
      %dma_start3A_14 = tpu.memref_squeeze %dma_start3A_13 : memref<1x640x128xf32, #tpu.memory_space<hbm>> -> memref<640x128xf32, #tpu.memory_space<hbm>>
      %dma_start3A_15 = arith.constant 0 : i32
      %dma_start3A_16 = tpu.memref_slice %arg10[%mul3A_10, %dma_start3A_15] : memref<10240x128xf32, #tpu.memory_space<vmem_shared>> -> memref<640x128xf32, #tpu.memory_space<vmem_shared>>
      tpu.enqueue_dma source(%dma_start3A_16 : memref<640x128xf32, #tpu.memory_space<vmem_shared>>) target(%dma_start3A_14 : memref<640x128xf32, #tpu.memory_space<hbm>>) target_semaphore(%run_scoped3A : memref<!tpu.dma_semaphore, #tpu.memory_space<semaphore_mem>>)
      %dma_wait3A = arith.constant 0 : i32
      %dma_wait3A_17 = tpu.memref_slice %arg6[%arg0, %mul3A_12, %dma_wait3A] : memref<2x10240x128xf32, #tpu.memory_space<hbm>> -> memref<1x640x128xf32, #tpu.memory_space<hbm>>
      %dma_wait3A_18 = tpu.memref_squeeze %dma_wait3A_17 : memref<1x640x128xf32, #tpu.memory_space<hbm>> -> memref<640x128xf32, #tpu.memory_space<hbm>>
      %dma_wait3A_19 = arith.constant 0 : i32
      %dma_wait3A_20 = tpu.memref_slice %arg10[%mul3A_10, %dma_wait3A_19] : memref<10240x128xf32, #tpu.memory_space<vmem_shared>> -> memref<640x128xf32, #tpu.memory_space<vmem_shared>>
      tpu.wait_dma2 semaphore(%run_scoped3A : memref<!tpu.dma_semaphore, #tpu.memory_space<semaphore_mem>>) src(%dma_wait3A_20 : memref<640x128xf32, #tpu.memory_space<vmem_shared>>) dst(%dma_wait3A_18 : memref<640x128xf32, #tpu.memory_space<hbm>>)
      tpu.yield
    }) : () -> ()
    return
  }
}

#map = affine_map<(d0, d1) -> (0, 0)>
#map1 = affine_map<(d0, d1) -> (0, 0, 0)>
module attributes {stable_mosaic.version = 14 : i64} {
  func.func @_msg_body(%arg0: i32, %arg1: i32, %arg2: memref<10240x128xf32, #tpu.memory_space<hbm>>, %arg3: memref<32x125x80xi32, #tpu.memory_space<hbm>>, %arg4: memref<32x125x80xi32, #tpu.memory_space<hbm>>, %arg5: memref<640x128xf32, #tpu.memory_space<hbm>>, %arg6: memref<2x10240x128xf32, #tpu.memory_space<hbm>>, %arg7: memref<125x80xi32, #tpu.memory_space<vmem>>, %arg8: memref<125x80xi32, #tpu.memory_space<vmem>>, %arg9: memref<80x128xf32, #tpu.memory_space<vmem>>, %arg10: memref<10240x128xf32, #tpu.memory_space<vmem_shared>>, %arg11: memref<!tpu.dma_semaphore, #tpu.memory_space<semaphore_mem>>) attributes {dimension_semantics = [#tpu.dimension_semantics<core_parallel>, #tpu.dimension_semantics<subcore_parallel>], iteration_bounds = array<i64: 2, 16>, scalar_prefetch = 0 : i64, scratch_operands = 5 : i64, tpu.core_type = #tpu.core_type<sc_vector_subcore>, window_params = [{transform_indices = #map}, {transform_indices = #map1}, {transform_indices = #map1}, {transform_indices = #map}, {transform_indices = #map1}]} {
    %mul3A = arith.constant 2 : i32
    %mul3A_0 = arith.muli %arg1, %mul3A : i32
    %add3A = arith.addi %mul3A_0, %arg0 : i32
    %mul3A_1 = arith.constant 640 : i32
    %mul3A_2 = arith.muli %arg1, %mul3A_1 : i32
    "tpu.region"() ({
      %run_scoped3A = tpu.sem_alloc : memref<!tpu.dma_semaphore, #tpu.memory_space<semaphore_mem>>
      %dma_start3A = arith.constant 0 : i32
      %dma_start3A_13 = tpu.memref_slice %arg10[%mul3A_2, %dma_start3A] : memref<10240x128xf32, #tpu.memory_space<vmem_shared>> -> memref<640x128xf32, #tpu.memory_space<vmem_shared>>
      tpu.enqueue_dma source(%arg5 : memref<640x128xf32, #tpu.memory_space<hbm>>) target(%dma_start3A_13 : memref<640x128xf32, #tpu.memory_space<vmem_shared>>) target_semaphore(%run_scoped3A : memref<!tpu.dma_semaphore, #tpu.memory_space<semaphore_mem>>)
      %dma_wait3A = arith.constant 0 : i32
      %dma_wait3A_14 = tpu.memref_slice %arg10[%mul3A_2, %dma_wait3A] : memref<10240x128xf32, #tpu.memory_space<vmem_shared>> -> memref<640x128xf32, #tpu.memory_space<vmem_shared>>
      tpu.wait_dma2 semaphore(%run_scoped3A : memref<!tpu.dma_semaphore, #tpu.memory_space<semaphore_mem>>) src(%arg5 : memref<640x128xf32, #tpu.memory_space<hbm>>) dst(%dma_wait3A_14 : memref<640x128xf32, #tpu.memory_space<vmem_shared>>)
      tpu.yield
    }) : () -> ()
    "tpu.region"() ({
      %run_scoped3A = tpu.sem_alloc : memref<!tpu.dma_semaphore, #tpu.memory_space<semaphore_mem>>
      %dma_start3A = arith.constant 0 : i32
      %dma_start3A_13 = arith.constant 0 : i32
      %dma_start3A_14 = tpu.memref_slice %arg3[%add3A, %dma_start3A, %dma_start3A_13] : memref<32x125x80xi32, #tpu.memory_space<hbm>> -> memref<1x125x80xi32, #tpu.memory_space<hbm>>
      %dma_start3A_15 = tpu.memref_squeeze %dma_start3A_14 : memref<1x125x80xi32, #tpu.memory_space<hbm>> -> memref<125x80xi32, #tpu.memory_space<hbm>>
      %dma_start3A_16 = arith.constant 0 : i32
      %dma_start3A_17 = arith.constant 0 : i32
      %dma_start3A_18 = tpu.memref_slice %arg3[%add3A, %dma_start3A_16, %dma_start3A_17] : memref<32x125x80xi32, #tpu.memory_space<hbm>> -> memref<1x125x80xi32, #tpu.memory_space<hbm>>
      %dma_start3A_19 = tpu.memref_squeeze %dma_start3A_18 : memref<1x125x80xi32, #tpu.memory_space<hbm>> -> memref<125x80xi32, #tpu.memory_space<hbm>>
      tpu.enqueue_dma source(%dma_start3A_19 : memref<125x80xi32, #tpu.memory_space<hbm>>) target(%arg7 : memref<125x80xi32, #tpu.memory_space<vmem>>) target_semaphore(%run_scoped3A : memref<!tpu.dma_semaphore, #tpu.memory_space<semaphore_mem>>)
      %dma_wait3A = arith.constant 0 : i32
      %dma_wait3A_20 = arith.constant 0 : i32
      %dma_wait3A_21 = tpu.memref_slice %arg3[%add3A, %dma_wait3A, %dma_wait3A_20] : memref<32x125x80xi32, #tpu.memory_space<hbm>> -> memref<1x125x80xi32, #tpu.memory_space<hbm>>
      %dma_wait3A_22 = tpu.memref_squeeze %dma_wait3A_21 : memref<1x125x80xi32, #tpu.memory_space<hbm>> -> memref<125x80xi32, #tpu.memory_space<hbm>>
      %dma_wait3A_23 = arith.constant 0 : i32
      %dma_wait3A_24 = arith.constant 0 : i32
      %dma_wait3A_25 = tpu.memref_slice %arg3[%add3A, %dma_wait3A_23, %dma_wait3A_24] : memref<32x125x80xi32, #tpu.memory_space<hbm>> -> memref<1x125x80xi32, #tpu.memory_space<hbm>>
      %dma_wait3A_26 = tpu.memref_squeeze %dma_wait3A_25 : memref<1x125x80xi32, #tpu.memory_space<hbm>> -> memref<125x80xi32, #tpu.memory_space<hbm>>
      tpu.wait_dma2 semaphore(%run_scoped3A : memref<!tpu.dma_semaphore, #tpu.memory_space<semaphore_mem>>) src(%dma_wait3A_26 : memref<125x80xi32, #tpu.memory_space<hbm>>) dst(%arg7 : memref<125x80xi32, #tpu.memory_space<vmem>>)
      tpu.yield
    }) : () -> ()
    "tpu.region"() ({
      %run_scoped3A = tpu.sem_alloc : memref<!tpu.dma_semaphore, #tpu.memory_space<semaphore_mem>>
      %dma_start3A = arith.constant 0 : i32
      %dma_start3A_13 = arith.constant 0 : i32
      %dma_start3A_14 = tpu.memref_slice %arg4[%add3A, %dma_start3A, %dma_start3A_13] : memref<32x125x80xi32, #tpu.memory_space<hbm>> -> memref<1x125x80xi32, #tpu.memory_space<hbm>>
      %dma_start3A_15 = tpu.memref_squeeze %dma_start3A_14 : memref<1x125x80xi32, #tpu.memory_space<hbm>> -> memref<125x80xi32, #tpu.memory_space<hbm>>
      %dma_start3A_16 = arith.constant 0 : i32
      %dma_start3A_17 = arith.constant 0 : i32
      %dma_start3A_18 = tpu.memref_slice %arg4[%add3A, %dma_start3A_16, %dma_start3A_17] : memref<32x125x80xi32, #tpu.memory_space<hbm>> -> memref<1x125x80xi32, #tpu.memory_space<hbm>>
      %dma_start3A_19 = tpu.memref_squeeze %dma_start3A_18 : memref<1x125x80xi32, #tpu.memory_space<hbm>> -> memref<125x80xi32, #tpu.memory_space<hbm>>
      tpu.enqueue_dma source(%dma_start3A_19 : memref<125x80xi32, #tpu.memory_space<hbm>>) target(%arg8 : memref<125x80xi32, #tpu.memory_space<vmem>>) target_semaphore(%run_scoped3A : memref<!tpu.dma_semaphore, #tpu.memory_space<semaphore_mem>>)
      %dma_wait3A = arith.constant 0 : i32
      %dma_wait3A_20 = arith.constant 0 : i32
      %dma_wait3A_21 = tpu.memref_slice %arg4[%add3A, %dma_wait3A, %dma_wait3A_20] : memref<32x125x80xi32, #tpu.memory_space<hbm>> -> memref<1x125x80xi32, #tpu.memory_space<hbm>>
      %dma_wait3A_22 = tpu.memref_squeeze %dma_wait3A_21 : memref<1x125x80xi32, #tpu.memory_space<hbm>> -> memref<125x80xi32, #tpu.memory_space<hbm>>
      %dma_wait3A_23 = arith.constant 0 : i32
      %dma_wait3A_24 = arith.constant 0 : i32
      %dma_wait3A_25 = tpu.memref_slice %arg4[%add3A, %dma_wait3A_23, %dma_wait3A_24] : memref<32x125x80xi32, #tpu.memory_space<hbm>> -> memref<1x125x80xi32, #tpu.memory_space<hbm>>
      %dma_wait3A_26 = tpu.memref_squeeze %dma_wait3A_25 : memref<1x125x80xi32, #tpu.memory_space<hbm>> -> memref<125x80xi32, #tpu.memory_space<hbm>>
      tpu.wait_dma2 semaphore(%run_scoped3A : memref<!tpu.dma_semaphore, #tpu.memory_space<semaphore_mem>>) src(%dma_wait3A_26 : memref<125x80xi32, #tpu.memory_space<hbm>>) dst(%arg8 : memref<125x80xi32, #tpu.memory_space<vmem>>)
      tpu.yield
    }) : () -> ()
    %barrier3A = arith.constant 0 : index
    tpu.barrier barrier_id(%barrier3A)
    %scan3A = arith.constant 0 : i32
    %scan3A_3 = arith.constant 0 : i32
    %scan3A_4 = arith.constant 125 : i32
    %scan3A_5 = arith.addi %scan3A_3, %scan3A_4 : i32
    %scan3A_6 = arith.constant 1 : i32
    scf.for %scan3A_13 = %scan3A_3 to %scan3A_5 step %scan3A_6  : i32 {
      %dma_start3A = arith.constant 0 : i32
      %dma_start3A_14 = tpu.memref_slice %arg7[%scan3A_13, %dma_start3A] : memref<125x80xi32, #tpu.memory_space<vmem>> -> memref<1x80xi32, #tpu.memory_space<vmem>>
      %dma_start3A_15 = tpu.memref_squeeze %dma_start3A_14 : memref<1x80xi32, #tpu.memory_space<vmem>> -> memref<80xi32, #tpu.memory_space<vmem>>
      %dma_start3A_16 = arith.constant 0 : i32
      %dma_start3A_17 = arith.constant 0 : i32
      %dma_start3A_18 = tpu.memref_slice %arg2[%dma_start3A_16, %dma_start3A_17] : memref<10240x128xf32, #tpu.memory_space<hbm>> -> memref<10240x128xf32, #tpu.memory_space<hbm>>
      tpu.enqueue_indirect_dma source(%dma_start3A_18 : memref<10240x128xf32, #tpu.memory_space<hbm>>) target(%arg9 : memref<80x128xf32, #tpu.memory_space<vmem>>) offsets(%dma_start3A_15 : memref<80xi32, #tpu.memory_space<vmem>>) semaphore(%arg11 : memref<!tpu.dma_semaphore, #tpu.memory_space<semaphore_mem>>)
      %dma_wait3A = arith.constant 0 : i32
      %dma_wait3A_19 = tpu.memref_slice %arg7[%scan3A_13, %dma_wait3A] : memref<125x80xi32, #tpu.memory_space<vmem>> -> memref<1x80xi32, #tpu.memory_space<vmem>>
      %dma_wait3A_20 = tpu.memref_squeeze %dma_wait3A_19 : memref<1x80xi32, #tpu.memory_space<vmem>> -> memref<80xi32, #tpu.memory_space<vmem>>
      %dma_wait3A_21 = arith.constant 0 : i32
      %dma_wait3A_22 = arith.constant 0 : i32
      %dma_wait3A_23 = tpu.memref_slice %arg2[%dma_wait3A_21, %dma_wait3A_22] : memref<10240x128xf32, #tpu.memory_space<hbm>> -> memref<10240x128xf32, #tpu.memory_space<hbm>>
      tpu.wait_indirect_dma semaphore(%arg11 : memref<!tpu.dma_semaphore, #tpu.memory_space<semaphore_mem>>) src(%dma_wait3A_23 : memref<10240x128xf32, #tpu.memory_space<hbm>>) dst(%arg9 : memref<80x128xf32, #tpu.memory_space<vmem>>)
      "tpu.region"() ({
        %run_scoped3A = tpu.sem_alloc : memref<!tpu.dma_semaphore, #tpu.memory_space<semaphore_mem>>
        %dma_start3A_24 = arith.constant 0 : i32
        %dma_start3A_25 = tpu.memref_slice %arg8[%scan3A_13, %dma_start3A_24] : memref<125x80xi32, #tpu.memory_space<vmem>> -> memref<1x80xi32, #tpu.memory_space<vmem>>
        %dma_start3A_26 = tpu.memref_squeeze %dma_start3A_25 : memref<1x80xi32, #tpu.memory_space<vmem>> -> memref<80xi32, #tpu.memory_space<vmem>>
        %dma_start3A_27 = arith.constant 0 : i32
        %dma_start3A_28 = arith.constant 0 : i32
        %dma_start3A_29 = tpu.memref_slice %arg10[%dma_start3A_27, %dma_start3A_28] : memref<10240x128xf32, #tpu.memory_space<vmem_shared>> -> memref<10240x128xf32, #tpu.memory_space<vmem_shared>>
        tpu.enqueue_indirect_dma source(%arg9 : memref<80x128xf32, #tpu.memory_space<vmem>>) target(%dma_start3A_29 : memref<10240x128xf32, #tpu.memory_space<vmem_shared>>) offsets(%dma_start3A_26 : memref<80xi32, #tpu.memory_space<vmem>>) semaphore(%run_scoped3A : memref<!tpu.dma_semaphore, #tpu.memory_space<semaphore_mem>>) {add = true}
        %dma_wait3A_30 = arith.constant 0 : i32
        %dma_wait3A_31 = tpu.memref_slice %arg8[%scan3A_13, %dma_wait3A_30] : memref<125x80xi32, #tpu.memory_space<vmem>> -> memref<1x80xi32, #tpu.memory_space<vmem>>
        %dma_wait3A_32 = tpu.memref_squeeze %dma_wait3A_31 : memref<1x80xi32, #tpu.memory_space<vmem>> -> memref<80xi32, #tpu.memory_space<vmem>>
        %dma_wait3A_33 = arith.constant 0 : i32
        %dma_wait3A_34 = arith.constant 0 : i32
        %dma_wait3A_35 = tpu.memref_slice %arg10[%dma_wait3A_33, %dma_wait3A_34] : memref<10240x128xf32, #tpu.memory_space<vmem_shared>> -> memref<10240x128xf32, #tpu.memory_space<vmem_shared>>
        tpu.wait_indirect_dma semaphore(%run_scoped3A : memref<!tpu.dma_semaphore, #tpu.memory_space<semaphore_mem>>) src(%arg9 : memref<80x128xf32, #tpu.memory_space<vmem>>) dst(%dma_wait3A_35 : memref<10240x128xf32, #tpu.memory_space<vmem_shared>>)
        tpu.yield
      }) : () -> ()
    }
    %scan3A_7 = arith.constant 125 : i32
    %barrier3A_8 = arith.constant 0 : index
    tpu.barrier barrier_id(%barrier3A_8)
    %mul3A_9 = arith.constant 640 : i32
    %mul3A_10 = arith.muli %arg1, %mul3A_9 : i32
    %mul3A_11 = arith.constant 640 : i32
    %mul3A_12 = arith.muli %arg1, %mul3A_11 : i32
    "tpu.region"() ({
      %run_scoped3A = tpu.sem_alloc : memref<!tpu.dma_semaphore, #tpu.memory_space<semaphore_mem>>
      %dma_start3A = arith.constant 0 : i32
      %dma_start3A_13 = tpu.memref_slice %arg6[%arg0, %mul3A_12, %dma_start3A] : memref<2x10240x128xf32, #tpu.memory_space<hbm>> -> memref<1x640x128xf32, #tpu.memory_space<hbm>>
      %dma_start3A_14 = tpu.memref_squeeze %dma_start3A_13 : memref<1x640x128xf32, #tpu.memory_space<hbm>> -> memref<640x128xf32, #tpu.memory_space<hbm>>
      %dma_start3A_15 = arith.constant 0 : i32
      %dma_start3A_16 = tpu.memref_slice %arg10[%mul3A_10, %dma_start3A_15] : memref<10240x128xf32, #tpu.memory_space<vmem_shared>> -> memref<640x128xf32, #tpu.memory_space<vmem_shared>>
      tpu.enqueue_dma source(%dma_start3A_16 : memref<640x128xf32, #tpu.memory_space<vmem_shared>>) target(%dma_start3A_14 : memref<640x128xf32, #tpu.memory_space<hbm>>) target_semaphore(%run_scoped3A : memref<!tpu.dma_semaphore, #tpu.memory_space<semaphore_mem>>)
      %dma_wait3A = arith.constant 0 : i32
      %dma_wait3A_17 = tpu.memref_slice %arg6[%arg0, %mul3A_12, %dma_wait3A] : memref<2x10240x128xf32, #tpu.memory_space<hbm>> -> memref<1x640x128xf32, #tpu.memory_space<hbm>>
      %dma_wait3A_18 = tpu.memref_squeeze %dma_wait3A_17 : memref<1x640x128xf32, #tpu.memory_space<hbm>> -> memref<640x128xf32, #tpu.memory_space<hbm>>
      %dma_wait3A_19 = arith.constant 0 : i32
      %dma_wait3A_20 = tpu.memref_slice %arg10[%mul3A_10, %dma_wait3A_19] : memref<10240x128xf32, #tpu.memory_space<vmem_shared>> -> memref<640x128xf32, #tpu.memory_space<vmem_shared>>
      tpu.wait_dma2 semaphore(%run_scoped3A : memref<!tpu.dma_semaphore, #tpu.memory_space<semaphore_mem>>) src(%dma_wait3A_20 : memref<640x128xf32, #tpu.memory_space<vmem_shared>>) dst(%dma_wait3A_18 : memref<640x128xf32, #tpu.memory_space<hbm>>)
      tpu.yield
    }) : () -> ()
    return
  }
}

#map = affine_map<(d0, d1) -> (0, 0)>
#map1 = affine_map<(d0, d1) -> (0, 0, 0)>
module attributes {stable_mosaic.version = 14 : i64} {
  func.func @_msg_body(%arg0: i32, %arg1: i32, %arg2: memref<10240x128xf32, #tpu.memory_space<hbm>>, %arg3: memref<32x125x80xi32, #tpu.memory_space<hbm>>, %arg4: memref<32x125x80xi32, #tpu.memory_space<hbm>>, %arg5: memref<640x128xf32, #tpu.memory_space<hbm>>, %arg6: memref<2x10240x128xf32, #tpu.memory_space<hbm>>, %arg7: memref<125x80xi32, #tpu.memory_space<vmem>>, %arg8: memref<125x80xi32, #tpu.memory_space<vmem>>, %arg9: memref<80x128xf32, #tpu.memory_space<vmem>>, %arg10: memref<10240x128xf32, #tpu.memory_space<vmem_shared>>, %arg11: memref<!tpu.dma_semaphore, #tpu.memory_space<semaphore_mem>>) attributes {dimension_semantics = [#tpu.dimension_semantics<core_parallel>, #tpu.dimension_semantics<subcore_parallel>], iteration_bounds = array<i64: 2, 16>, scalar_prefetch = 0 : i64, scratch_operands = 5 : i64, tpu.core_type = #tpu.core_type<sc_vector_subcore>, window_params = [{transform_indices = #map}, {transform_indices = #map1}, {transform_indices = #map1}, {transform_indices = #map}, {transform_indices = #map1}]} {
    %mul3A = arith.constant 2 : i32
    %mul3A_0 = arith.muli %arg1, %mul3A : i32
    %add3A = arith.addi %mul3A_0, %arg0 : i32
    %mul3A_1 = arith.constant 640 : i32
    %mul3A_2 = arith.muli %arg1, %mul3A_1 : i32
    "tpu.region"() ({
      %run_scoped3A = tpu.sem_alloc : memref<!tpu.dma_semaphore, #tpu.memory_space<semaphore_mem>>
      %dma_start3A = arith.constant 0 : i32
      %dma_start3A_13 = tpu.memref_slice %arg10[%mul3A_2, %dma_start3A] : memref<10240x128xf32, #tpu.memory_space<vmem_shared>> -> memref<640x128xf32, #tpu.memory_space<vmem_shared>>
      tpu.enqueue_dma source(%arg5 : memref<640x128xf32, #tpu.memory_space<hbm>>) target(%dma_start3A_13 : memref<640x128xf32, #tpu.memory_space<vmem_shared>>) target_semaphore(%run_scoped3A : memref<!tpu.dma_semaphore, #tpu.memory_space<semaphore_mem>>)
      %dma_wait3A = arith.constant 0 : i32
      %dma_wait3A_14 = tpu.memref_slice %arg10[%mul3A_2, %dma_wait3A] : memref<10240x128xf32, #tpu.memory_space<vmem_shared>> -> memref<640x128xf32, #tpu.memory_space<vmem_shared>>
      tpu.wait_dma2 semaphore(%run_scoped3A : memref<!tpu.dma_semaphore, #tpu.memory_space<semaphore_mem>>) src(%arg5 : memref<640x128xf32, #tpu.memory_space<hbm>>) dst(%dma_wait3A_14 : memref<640x128xf32, #tpu.memory_space<vmem_shared>>)
      tpu.yield
    }) : () -> ()
    "tpu.region"() ({
      %run_scoped3A = tpu.sem_alloc : memref<!tpu.dma_semaphore, #tpu.memory_space<semaphore_mem>>
      %dma_start3A = arith.constant 0 : i32
      %dma_start3A_13 = arith.constant 0 : i32
      %dma_start3A_14 = tpu.memref_slice %arg3[%add3A, %dma_start3A, %dma_start3A_13] : memref<32x125x80xi32, #tpu.memory_space<hbm>> -> memref<1x125x80xi32, #tpu.memory_space<hbm>>
      %dma_start3A_15 = tpu.memref_squeeze %dma_start3A_14 : memref<1x125x80xi32, #tpu.memory_space<hbm>> -> memref<125x80xi32, #tpu.memory_space<hbm>>
      %dma_start3A_16 = arith.constant 0 : i32
      %dma_start3A_17 = arith.constant 0 : i32
      %dma_start3A_18 = tpu.memref_slice %arg3[%add3A, %dma_start3A_16, %dma_start3A_17] : memref<32x125x80xi32, #tpu.memory_space<hbm>> -> memref<1x125x80xi32, #tpu.memory_space<hbm>>
      %dma_start3A_19 = tpu.memref_squeeze %dma_start3A_18 : memref<1x125x80xi32, #tpu.memory_space<hbm>> -> memref<125x80xi32, #tpu.memory_space<hbm>>
      tpu.enqueue_dma source(%dma_start3A_19 : memref<125x80xi32, #tpu.memory_space<hbm>>) target(%arg7 : memref<125x80xi32, #tpu.memory_space<vmem>>) target_semaphore(%run_scoped3A : memref<!tpu.dma_semaphore, #tpu.memory_space<semaphore_mem>>)
      %dma_wait3A = arith.constant 0 : i32
      %dma_wait3A_20 = arith.constant 0 : i32
      %dma_wait3A_21 = tpu.memref_slice %arg3[%add3A, %dma_wait3A, %dma_wait3A_20] : memref<32x125x80xi32, #tpu.memory_space<hbm>> -> memref<1x125x80xi32, #tpu.memory_space<hbm>>
      %dma_wait3A_22 = tpu.memref_squeeze %dma_wait3A_21 : memref<1x125x80xi32, #tpu.memory_space<hbm>> -> memref<125x80xi32, #tpu.memory_space<hbm>>
      %dma_wait3A_23 = arith.constant 0 : i32
      %dma_wait3A_24 = arith.constant 0 : i32
      %dma_wait3A_25 = tpu.memref_slice %arg3[%add3A, %dma_wait3A_23, %dma_wait3A_24] : memref<32x125x80xi32, #tpu.memory_space<hbm>> -> memref<1x125x80xi32, #tpu.memory_space<hbm>>
      %dma_wait3A_26 = tpu.memref_squeeze %dma_wait3A_25 : memref<1x125x80xi32, #tpu.memory_space<hbm>> -> memref<125x80xi32, #tpu.memory_space<hbm>>
      tpu.wait_dma2 semaphore(%run_scoped3A : memref<!tpu.dma_semaphore, #tpu.memory_space<semaphore_mem>>) src(%dma_wait3A_26 : memref<125x80xi32, #tpu.memory_space<hbm>>) dst(%arg7 : memref<125x80xi32, #tpu.memory_space<vmem>>)
      tpu.yield
    }) : () -> ()
    "tpu.region"() ({
      %run_scoped3A = tpu.sem_alloc : memref<!tpu.dma_semaphore, #tpu.memory_space<semaphore_mem>>
      %dma_start3A = arith.constant 0 : i32
      %dma_start3A_13 = arith.constant 0 : i32
      %dma_start3A_14 = tpu.memref_slice %arg4[%add3A, %dma_start3A, %dma_start3A_13] : memref<32x125x80xi32, #tpu.memory_space<hbm>> -> memref<1x125x80xi32, #tpu.memory_space<hbm>>
      %dma_start3A_15 = tpu.memref_squeeze %dma_start3A_14 : memref<1x125x80xi32, #tpu.memory_space<hbm>> -> memref<125x80xi32, #tpu.memory_space<hbm>>
      %dma_start3A_16 = arith.constant 0 : i32
      %dma_start3A_17 = arith.constant 0 : i32
      %dma_start3A_18 = tpu.memref_slice %arg4[%add3A, %dma_start3A_16, %dma_start3A_17] : memref<32x125x80xi32, #tpu.memory_space<hbm>> -> memref<1x125x80xi32, #tpu.memory_space<hbm>>
      %dma_start3A_19 = tpu.memref_squeeze %dma_start3A_18 : memref<1x125x80xi32, #tpu.memory_space<hbm>> -> memref<125x80xi32, #tpu.memory_space<hbm>>
      tpu.enqueue_dma source(%dma_start3A_19 : memref<125x80xi32, #tpu.memory_space<hbm>>) target(%arg8 : memref<125x80xi32, #tpu.memory_space<vmem>>) target_semaphore(%run_scoped3A : memref<!tpu.dma_semaphore, #tpu.memory_space<semaphore_mem>>)
      %dma_wait3A = arith.constant 0 : i32
      %dma_wait3A_20 = arith.constant 0 : i32
      %dma_wait3A_21 = tpu.memref_slice %arg4[%add3A, %dma_wait3A, %dma_wait3A_20] : memref<32x125x80xi32, #tpu.memory_space<hbm>> -> memref<1x125x80xi32, #tpu.memory_space<hbm>>
      %dma_wait3A_22 = tpu.memref_squeeze %dma_wait3A_21 : memref<1x125x80xi32, #tpu.memory_space<hbm>> -> memref<125x80xi32, #tpu.memory_space<hbm>>
      %dma_wait3A_23 = arith.constant 0 : i32
      %dma_wait3A_24 = arith.constant 0 : i32
      %dma_wait3A_25 = tpu.memref_slice %arg4[%add3A, %dma_wait3A_23, %dma_wait3A_24] : memref<32x125x80xi32, #tpu.memory_space<hbm>> -> memref<1x125x80xi32, #tpu.memory_space<hbm>>
      %dma_wait3A_26 = tpu.memref_squeeze %dma_wait3A_25 : memref<1x125x80xi32, #tpu.memory_space<hbm>> -> memref<125x80xi32, #tpu.memory_space<hbm>>
      tpu.wait_dma2 semaphore(%run_scoped3A : memref<!tpu.dma_semaphore, #tpu.memory_space<semaphore_mem>>) src(%dma_wait3A_26 : memref<125x80xi32, #tpu.memory_space<hbm>>) dst(%arg8 : memref<125x80xi32, #tpu.memory_space<vmem>>)
      tpu.yield
    }) : () -> ()
    %barrier3A = arith.constant 0 : index
    tpu.barrier barrier_id(%barrier3A)
    %scan3A = arith.constant 0 : i32
    %scan3A_3 = arith.constant 0 : i32
    %scan3A_4 = arith.constant 125 : i32
    %scan3A_5 = arith.addi %scan3A_3, %scan3A_4 : i32
    %scan3A_6 = arith.constant 1 : i32
    scf.for %scan3A_13 = %scan3A_3 to %scan3A_5 step %scan3A_6  : i32 {
      %dma_start3A = arith.constant 0 : i32
      %dma_start3A_14 = tpu.memref_slice %arg7[%scan3A_13, %dma_start3A] : memref<125x80xi32, #tpu.memory_space<vmem>> -> memref<1x80xi32, #tpu.memory_space<vmem>>
      %dma_start3A_15 = tpu.memref_squeeze %dma_start3A_14 : memref<1x80xi32, #tpu.memory_space<vmem>> -> memref<80xi32, #tpu.memory_space<vmem>>
      %dma_start3A_16 = arith.constant 0 : i32
      %dma_start3A_17 = arith.constant 0 : i32
      %dma_start3A_18 = tpu.memref_slice %arg2[%dma_start3A_16, %dma_start3A_17] : memref<10240x128xf32, #tpu.memory_space<hbm>> -> memref<10240x128xf32, #tpu.memory_space<hbm>>
      tpu.enqueue_indirect_dma source(%dma_start3A_18 : memref<10240x128xf32, #tpu.memory_space<hbm>>) target(%arg9 : memref<80x128xf32, #tpu.memory_space<vmem>>) offsets(%dma_start3A_15 : memref<80xi32, #tpu.memory_space<vmem>>) semaphore(%arg11 : memref<!tpu.dma_semaphore, #tpu.memory_space<semaphore_mem>>)
      %dma_wait3A = arith.constant 0 : i32
      %dma_wait3A_19 = tpu.memref_slice %arg7[%scan3A_13, %dma_wait3A] : memref<125x80xi32, #tpu.memory_space<vmem>> -> memref<1x80xi32, #tpu.memory_space<vmem>>
      %dma_wait3A_20 = tpu.memref_squeeze %dma_wait3A_19 : memref<1x80xi32, #tpu.memory_space<vmem>> -> memref<80xi32, #tpu.memory_space<vmem>>
      %dma_wait3A_21 = arith.constant 0 : i32
      %dma_wait3A_22 = arith.constant 0 : i32
      %dma_wait3A_23 = tpu.memref_slice %arg2[%dma_wait3A_21, %dma_wait3A_22] : memref<10240x128xf32, #tpu.memory_space<hbm>> -> memref<10240x128xf32, #tpu.memory_space<hbm>>
      tpu.wait_indirect_dma semaphore(%arg11 : memref<!tpu.dma_semaphore, #tpu.memory_space<semaphore_mem>>) src(%dma_wait3A_23 : memref<10240x128xf32, #tpu.memory_space<hbm>>) dst(%arg9 : memref<80x128xf32, #tpu.memory_space<vmem>>)
      "tpu.region"() ({
        %run_scoped3A = tpu.sem_alloc : memref<!tpu.dma_semaphore, #tpu.memory_space<semaphore_mem>>
        %dma_start3A_24 = arith.constant 0 : i32
        %dma_start3A_25 = tpu.memref_slice %arg8[%scan3A_13, %dma_start3A_24] : memref<125x80xi32, #tpu.memory_space<vmem>> -> memref<1x80xi32, #tpu.memory_space<vmem>>
        %dma_start3A_26 = tpu.memref_squeeze %dma_start3A_25 : memref<1x80xi32, #tpu.memory_space<vmem>> -> memref<80xi32, #tpu.memory_space<vmem>>
        %dma_start3A_27 = arith.constant 0 : i32
        %dma_start3A_28 = arith.constant 0 : i32
        %dma_start3A_29 = tpu.memref_slice %arg10[%dma_start3A_27, %dma_start3A_28] : memref<10240x128xf32, #tpu.memory_space<vmem_shared>> -> memref<10240x128xf32, #tpu.memory_space<vmem_shared>>
        tpu.enqueue_indirect_dma source(%arg9 : memref<80x128xf32, #tpu.memory_space<vmem>>) target(%dma_start3A_29 : memref<10240x128xf32, #tpu.memory_space<vmem_shared>>) offsets(%dma_start3A_26 : memref<80xi32, #tpu.memory_space<vmem>>) semaphore(%run_scoped3A : memref<!tpu.dma_semaphore, #tpu.memory_space<semaphore_mem>>) {add = true}
        %dma_wait3A_30 = arith.constant 0 : i32
        %dma_wait3A_31 = tpu.memref_slice %arg8[%scan3A_13, %dma_wait3A_30] : memref<125x80xi32, #tpu.memory_space<vmem>> -> memref<1x80xi32, #tpu.memory_space<vmem>>
        %dma_wait3A_32 = tpu.memref_squeeze %dma_wait3A_31 : memref<1x80xi32, #tpu.memory_space<vmem>> -> memref<80xi32, #tpu.memory_space<vmem>>
        %dma_wait3A_33 = arith.constant 0 : i32
        %dma_wait3A_34 = arith.constant 0 : i32
        %dma_wait3A_35 = tpu.memref_slice %arg10[%dma_wait3A_33, %dma_wait3A_34] : memref<10240x128xf32, #tpu.memory_space<vmem_shared>> -> memref<10240x128xf32, #tpu.memory_space<vmem_shared>>
        tpu.wait_indirect_dma semaphore(%run_scoped3A : memref<!tpu.dma_semaphore, #tpu.memory_space<semaphore_mem>>) src(%arg9 : memref<80x128xf32, #tpu.memory_space<vmem>>) dst(%dma_wait3A_35 : memref<10240x128xf32, #tpu.memory_space<vmem_shared>>)
        tpu.yield
      }) : () -> ()
    }
    %scan3A_7 = arith.constant 125 : i32
    %barrier3A_8 = arith.constant 0 : index
    tpu.barrier barrier_id(%barrier3A_8)
    %mul3A_9 = arith.constant 640 : i32
    %mul3A_10 = arith.muli %arg1, %mul3A_9 : i32
    %mul3A_11 = arith.constant 640 : i32
    %mul3A_12 = arith.muli %arg1, %mul3A_11 : i32
    "tpu.region"() ({
      %run_scoped3A = tpu.sem_alloc : memref<!tpu.dma_semaphore, #tpu.memory_space<semaphore_mem>>
      %dma_start3A = arith.constant 0 : i32
      %dma_start3A_13 = tpu.memref_slice %arg6[%arg0, %mul3A_12, %dma_start3A] : memref<2x10240x128xf32, #tpu.memory_space<hbm>> -> memref<1x640x128xf32, #tpu.memory_space<hbm>>
      %dma_start3A_14 = tpu.memref_squeeze %dma_start3A_13 : memref<1x640x128xf32, #tpu.memory_space<hbm>> -> memref<640x128xf32, #tpu.memory_space<hbm>>
      %dma_start3A_15 = arith.constant 0 : i32
      %dma_start3A_16 = tpu.memref_slice %arg10[%mul3A_10, %dma_start3A_15] : memref<10240x128xf32, #tpu.memory_space<vmem_shared>> -> memref<640x128xf32, #tpu.memory_space<vmem_shared>>
      tpu.enqueue_dma source(%dma_start3A_16 : memref<640x128xf32, #tpu.memory_space<vmem_shared>>) target(%dma_start3A_14 : memref<640x128xf32, #tpu.memory_space<hbm>>) target_semaphore(%run_scoped3A : memref<!tpu.dma_semaphore, #tpu.memory_space<semaphore_mem>>)
      %dma_wait3A = arith.constant 0 : i32
      %dma_wait3A_17 = tpu.memref_slice %arg6[%arg0, %mul3A_12, %dma_wait3A] : memref<2x10240x128xf32, #tpu.memory_space<hbm>> -> memref<1x640x128xf32, #tpu.memory_space<hbm>>
      %dma_wait3A_18 = tpu.memref_squeeze %dma_wait3A_17 : memref<1x640x128xf32, #tpu.memory_space<hbm>> -> memref<640x128xf32, #tpu.memory_space<hbm>>
      %dma_wait3A_19 = arith.constant 0 : i32
      %dma_wait3A_20 = tpu.memref_slice %arg10[%mul3A_10, %dma_wait3A_19] : memref<10240x128xf32, #tpu.memory_space<vmem_shared>> -> memref<640x128xf32, #tpu.memory_space<vmem_shared>>
      tpu.wait_dma2 semaphore(%run_scoped3A : memref<!tpu.dma_semaphore, #tpu.memory_space<semaphore_mem>>) src(%dma_wait3A_20 : memref<640x128xf32, #tpu.memory_space<vmem_shared>>) dst(%dma_wait3A_18 : memref<640x128xf32, #tpu.memory_space<hbm>>)
      tpu.yield
    }) : () -> ()
    return
  }
}

#map = affine_map<(d0, d1) -> (0, 0)>
#map1 = affine_map<(d0, d1) -> (0, 0, 0)>
module attributes {stable_mosaic.version = 14 : i64} {
  func.func @_msg_body(%arg0: i32, %arg1: i32, %arg2: memref<10240x128xf32, #tpu.memory_space<hbm>>, %arg3: memref<32x125x80xi32, #tpu.memory_space<hbm>>, %arg4: memref<32x125x80xi32, #tpu.memory_space<hbm>>, %arg5: memref<640x128xf32, #tpu.memory_space<hbm>>, %arg6: memref<2x10240x128xf32, #tpu.memory_space<hbm>>, %arg7: memref<125x80xi32, #tpu.memory_space<vmem>>, %arg8: memref<125x80xi32, #tpu.memory_space<vmem>>, %arg9: memref<80x128xf32, #tpu.memory_space<vmem>>, %arg10: memref<10240x128xf32, #tpu.memory_space<vmem_shared>>, %arg11: memref<!tpu.dma_semaphore, #tpu.memory_space<semaphore_mem>>) attributes {dimension_semantics = [#tpu.dimension_semantics<core_parallel>, #tpu.dimension_semantics<subcore_parallel>], iteration_bounds = array<i64: 2, 16>, scalar_prefetch = 0 : i64, scratch_operands = 5 : i64, tpu.core_type = #tpu.core_type<sc_vector_subcore>, window_params = [{transform_indices = #map}, {transform_indices = #map1}, {transform_indices = #map1}, {transform_indices = #map}, {transform_indices = #map1}]} {
    %mul3A = arith.constant 2 : i32
    %mul3A_0 = arith.muli %arg1, %mul3A : i32
    %add3A = arith.addi %mul3A_0, %arg0 : i32
    %mul3A_1 = arith.constant 640 : i32
    %mul3A_2 = arith.muli %arg1, %mul3A_1 : i32
    "tpu.region"() ({
      %run_scoped3A = tpu.sem_alloc : memref<!tpu.dma_semaphore, #tpu.memory_space<semaphore_mem>>
      %dma_start3A = arith.constant 0 : i32
      %dma_start3A_13 = tpu.memref_slice %arg10[%mul3A_2, %dma_start3A] : memref<10240x128xf32, #tpu.memory_space<vmem_shared>> -> memref<640x128xf32, #tpu.memory_space<vmem_shared>>
      tpu.enqueue_dma source(%arg5 : memref<640x128xf32, #tpu.memory_space<hbm>>) target(%dma_start3A_13 : memref<640x128xf32, #tpu.memory_space<vmem_shared>>) target_semaphore(%run_scoped3A : memref<!tpu.dma_semaphore, #tpu.memory_space<semaphore_mem>>)
      %dma_wait3A = arith.constant 0 : i32
      %dma_wait3A_14 = tpu.memref_slice %arg10[%mul3A_2, %dma_wait3A] : memref<10240x128xf32, #tpu.memory_space<vmem_shared>> -> memref<640x128xf32, #tpu.memory_space<vmem_shared>>
      tpu.wait_dma2 semaphore(%run_scoped3A : memref<!tpu.dma_semaphore, #tpu.memory_space<semaphore_mem>>) src(%arg5 : memref<640x128xf32, #tpu.memory_space<hbm>>) dst(%dma_wait3A_14 : memref<640x128xf32, #tpu.memory_space<vmem_shared>>)
      tpu.yield
    }) : () -> ()
    "tpu.region"() ({
      %run_scoped3A = tpu.sem_alloc : memref<!tpu.dma_semaphore, #tpu.memory_space<semaphore_mem>>
      %dma_start3A = arith.constant 0 : i32
      %dma_start3A_13 = arith.constant 0 : i32
      %dma_start3A_14 = tpu.memref_slice %arg3[%add3A, %dma_start3A, %dma_start3A_13] : memref<32x125x80xi32, #tpu.memory_space<hbm>> -> memref<1x125x80xi32, #tpu.memory_space<hbm>>
      %dma_start3A_15 = tpu.memref_squeeze %dma_start3A_14 : memref<1x125x80xi32, #tpu.memory_space<hbm>> -> memref<125x80xi32, #tpu.memory_space<hbm>>
      %dma_start3A_16 = arith.constant 0 : i32
      %dma_start3A_17 = arith.constant 0 : i32
      %dma_start3A_18 = tpu.memref_slice %arg3[%add3A, %dma_start3A_16, %dma_start3A_17] : memref<32x125x80xi32, #tpu.memory_space<hbm>> -> memref<1x125x80xi32, #tpu.memory_space<hbm>>
      %dma_start3A_19 = tpu.memref_squeeze %dma_start3A_18 : memref<1x125x80xi32, #tpu.memory_space<hbm>> -> memref<125x80xi32, #tpu.memory_space<hbm>>
      tpu.enqueue_dma source(%dma_start3A_19 : memref<125x80xi32, #tpu.memory_space<hbm>>) target(%arg7 : memref<125x80xi32, #tpu.memory_space<vmem>>) target_semaphore(%run_scoped3A : memref<!tpu.dma_semaphore, #tpu.memory_space<semaphore_mem>>)
      %dma_wait3A = arith.constant 0 : i32
      %dma_wait3A_20 = arith.constant 0 : i32
      %dma_wait3A_21 = tpu.memref_slice %arg3[%add3A, %dma_wait3A, %dma_wait3A_20] : memref<32x125x80xi32, #tpu.memory_space<hbm>> -> memref<1x125x80xi32, #tpu.memory_space<hbm>>
      %dma_wait3A_22 = tpu.memref_squeeze %dma_wait3A_21 : memref<1x125x80xi32, #tpu.memory_space<hbm>> -> memref<125x80xi32, #tpu.memory_space<hbm>>
      %dma_wait3A_23 = arith.constant 0 : i32
      %dma_wait3A_24 = arith.constant 0 : i32
      %dma_wait3A_25 = tpu.memref_slice %arg3[%add3A, %dma_wait3A_23, %dma_wait3A_24] : memref<32x125x80xi32, #tpu.memory_space<hbm>> -> memref<1x125x80xi32, #tpu.memory_space<hbm>>
      %dma_wait3A_26 = tpu.memref_squeeze %dma_wait3A_25 : memref<1x125x80xi32, #tpu.memory_space<hbm>> -> memref<125x80xi32, #tpu.memory_space<hbm>>
      tpu.wait_dma2 semaphore(%run_scoped3A : memref<!tpu.dma_semaphore, #tpu.memory_space<semaphore_mem>>) src(%dma_wait3A_26 : memref<125x80xi32, #tpu.memory_space<hbm>>) dst(%arg7 : memref<125x80xi32, #tpu.memory_space<vmem>>)
      tpu.yield
    }) : () -> ()
    "tpu.region"() ({
      %run_scoped3A = tpu.sem_alloc : memref<!tpu.dma_semaphore, #tpu.memory_space<semaphore_mem>>
      %dma_start3A = arith.constant 0 : i32
      %dma_start3A_13 = arith.constant 0 : i32
      %dma_start3A_14 = tpu.memref_slice %arg4[%add3A, %dma_start3A, %dma_start3A_13] : memref<32x125x80xi32, #tpu.memory_space<hbm>> -> memref<1x125x80xi32, #tpu.memory_space<hbm>>
      %dma_start3A_15 = tpu.memref_squeeze %dma_start3A_14 : memref<1x125x80xi32, #tpu.memory_space<hbm>> -> memref<125x80xi32, #tpu.memory_space<hbm>>
      %dma_start3A_16 = arith.constant 0 : i32
      %dma_start3A_17 = arith.constant 0 : i32
      %dma_start3A_18 = tpu.memref_slice %arg4[%add3A, %dma_start3A_16, %dma_start3A_17] : memref<32x125x80xi32, #tpu.memory_space<hbm>> -> memref<1x125x80xi32, #tpu.memory_space<hbm>>
      %dma_start3A_19 = tpu.memref_squeeze %dma_start3A_18 : memref<1x125x80xi32, #tpu.memory_space<hbm>> -> memref<125x80xi32, #tpu.memory_space<hbm>>
      tpu.enqueue_dma source(%dma_start3A_19 : memref<125x80xi32, #tpu.memory_space<hbm>>) target(%arg8 : memref<125x80xi32, #tpu.memory_space<vmem>>) target_semaphore(%run_scoped3A : memref<!tpu.dma_semaphore, #tpu.memory_space<semaphore_mem>>)
      %dma_wait3A = arith.constant 0 : i32
      %dma_wait3A_20 = arith.constant 0 : i32
      %dma_wait3A_21 = tpu.memref_slice %arg4[%add3A, %dma_wait3A, %dma_wait3A_20] : memref<32x125x80xi32, #tpu.memory_space<hbm>> -> memref<1x125x80xi32, #tpu.memory_space<hbm>>
      %dma_wait3A_22 = tpu.memref_squeeze %dma_wait3A_21 : memref<1x125x80xi32, #tpu.memory_space<hbm>> -> memref<125x80xi32, #tpu.memory_space<hbm>>
      %dma_wait3A_23 = arith.constant 0 : i32
      %dma_wait3A_24 = arith.constant 0 : i32
      %dma_wait3A_25 = tpu.memref_slice %arg4[%add3A, %dma_wait3A_23, %dma_wait3A_24] : memref<32x125x80xi32, #tpu.memory_space<hbm>> -> memref<1x125x80xi32, #tpu.memory_space<hbm>>
      %dma_wait3A_26 = tpu.memref_squeeze %dma_wait3A_25 : memref<1x125x80xi32, #tpu.memory_space<hbm>> -> memref<125x80xi32, #tpu.memory_space<hbm>>
      tpu.wait_dma2 semaphore(%run_scoped3A : memref<!tpu.dma_semaphore, #tpu.memory_space<semaphore_mem>>) src(%dma_wait3A_26 : memref<125x80xi32, #tpu.memory_space<hbm>>) dst(%arg8 : memref<125x80xi32, #tpu.memory_space<vmem>>)
      tpu.yield
    }) : () -> ()
    %barrier3A = arith.constant 0 : index
    tpu.barrier barrier_id(%barrier3A)
    %scan3A = arith.constant 0 : i32
    %scan3A_3 = arith.constant 0 : i32
    %scan3A_4 = arith.constant 125 : i32
    %scan3A_5 = arith.addi %scan3A_3, %scan3A_4 : i32
    %scan3A_6 = arith.constant 1 : i32
    scf.for %scan3A_13 = %scan3A_3 to %scan3A_5 step %scan3A_6  : i32 {
      %dma_start3A = arith.constant 0 : i32
      %dma_start3A_14 = tpu.memref_slice %arg7[%scan3A_13, %dma_start3A] : memref<125x80xi32, #tpu.memory_space<vmem>> -> memref<1x80xi32, #tpu.memory_space<vmem>>
      %dma_start3A_15 = tpu.memref_squeeze %dma_start3A_14 : memref<1x80xi32, #tpu.memory_space<vmem>> -> memref<80xi32, #tpu.memory_space<vmem>>
      %dma_start3A_16 = arith.constant 0 : i32
      %dma_start3A_17 = arith.constant 0 : i32
      %dma_start3A_18 = tpu.memref_slice %arg2[%dma_start3A_16, %dma_start3A_17] : memref<10240x128xf32, #tpu.memory_space<hbm>> -> memref<10240x128xf32, #tpu.memory_space<hbm>>
      tpu.enqueue_indirect_dma source(%dma_start3A_18 : memref<10240x128xf32, #tpu.memory_space<hbm>>) target(%arg9 : memref<80x128xf32, #tpu.memory_space<vmem>>) offsets(%dma_start3A_15 : memref<80xi32, #tpu.memory_space<vmem>>) semaphore(%arg11 : memref<!tpu.dma_semaphore, #tpu.memory_space<semaphore_mem>>)
      %dma_wait3A = arith.constant 0 : i32
      %dma_wait3A_19 = tpu.memref_slice %arg7[%scan3A_13, %dma_wait3A] : memref<125x80xi32, #tpu.memory_space<vmem>> -> memref<1x80xi32, #tpu.memory_space<vmem>>
      %dma_wait3A_20 = tpu.memref_squeeze %dma_wait3A_19 : memref<1x80xi32, #tpu.memory_space<vmem>> -> memref<80xi32, #tpu.memory_space<vmem>>
      %dma_wait3A_21 = arith.constant 0 : i32
      %dma_wait3A_22 = arith.constant 0 : i32
      %dma_wait3A_23 = tpu.memref_slice %arg2[%dma_wait3A_21, %dma_wait3A_22] : memref<10240x128xf32, #tpu.memory_space<hbm>> -> memref<10240x128xf32, #tpu.memory_space<hbm>>
      tpu.wait_indirect_dma semaphore(%arg11 : memref<!tpu.dma_semaphore, #tpu.memory_space<semaphore_mem>>) src(%dma_wait3A_23 : memref<10240x128xf32, #tpu.memory_space<hbm>>) dst(%arg9 : memref<80x128xf32, #tpu.memory_space<vmem>>)
      "tpu.region"() ({
        %run_scoped3A = tpu.sem_alloc : memref<!tpu.dma_semaphore, #tpu.memory_space<semaphore_mem>>
        %dma_start3A_24 = arith.constant 0 : i32
        %dma_start3A_25 = tpu.memref_slice %arg8[%scan3A_13, %dma_start3A_24] : memref<125x80xi32, #tpu.memory_space<vmem>> -> memref<1x80xi32, #tpu.memory_space<vmem>>
        %dma_start3A_26 = tpu.memref_squeeze %dma_start3A_25 : memref<1x80xi32, #tpu.memory_space<vmem>> -> memref<80xi32, #tpu.memory_space<vmem>>
        %dma_start3A_27 = arith.constant 0 : i32
        %dma_start3A_28 = arith.constant 0 : i32
        %dma_start3A_29 = tpu.memref_slice %arg10[%dma_start3A_27, %dma_start3A_28] : memref<10240x128xf32, #tpu.memory_space<vmem_shared>> -> memref<10240x128xf32, #tpu.memory_space<vmem_shared>>
        tpu.enqueue_indirect_dma source(%arg9 : memref<80x128xf32, #tpu.memory_space<vmem>>) target(%dma_start3A_29 : memref<10240x128xf32, #tpu.memory_space<vmem_shared>>) offsets(%dma_start3A_26 : memref<80xi32, #tpu.memory_space<vmem>>) semaphore(%run_scoped3A : memref<!tpu.dma_semaphore, #tpu.memory_space<semaphore_mem>>) {add = true}
        %dma_wait3A_30 = arith.constant 0 : i32
        %dma_wait3A_31 = tpu.memref_slice %arg8[%scan3A_13, %dma_wait3A_30] : memref<125x80xi32, #tpu.memory_space<vmem>> -> memref<1x80xi32, #tpu.memory_space<vmem>>
        %dma_wait3A_32 = tpu.memref_squeeze %dma_wait3A_31 : memref<1x80xi32, #tpu.memory_space<vmem>> -> memref<80xi32, #tpu.memory_space<vmem>>
        %dma_wait3A_33 = arith.constant 0 : i32
        %dma_wait3A_34 = arith.constant 0 : i32
        %dma_wait3A_35 = tpu.memref_slice %arg10[%dma_wait3A_33, %dma_wait3A_34] : memref<10240x128xf32, #tpu.memory_space<vmem_shared>> -> memref<10240x128xf32, #tpu.memory_space<vmem_shared>>
        tpu.wait_indirect_dma semaphore(%run_scoped3A : memref<!tpu.dma_semaphore, #tpu.memory_space<semaphore_mem>>) src(%arg9 : memref<80x128xf32, #tpu.memory_space<vmem>>) dst(%dma_wait3A_35 : memref<10240x128xf32, #tpu.memory_space<vmem_shared>>)
        tpu.yield
      }) : () -> ()
    }
    %scan3A_7 = arith.constant 125 : i32
    %barrier3A_8 = arith.constant 0 : index
    tpu.barrier barrier_id(%barrier3A_8)
    %mul3A_9 = arith.constant 640 : i32
    %mul3A_10 = arith.muli %arg1, %mul3A_9 : i32
    %mul3A_11 = arith.constant 640 : i32
    %mul3A_12 = arith.muli %arg1, %mul3A_11 : i32
    "tpu.region"() ({
      %run_scoped3A = tpu.sem_alloc : memref<!tpu.dma_semaphore, #tpu.memory_space<semaphore_mem>>
      %dma_start3A = arith.constant 0 : i32
      %dma_start3A_13 = tpu.memref_slice %arg6[%arg0, %mul3A_12, %dma_start3A] : memref<2x10240x128xf32, #tpu.memory_space<hbm>> -> memref<1x640x128xf32, #tpu.memory_space<hbm>>
      %dma_start3A_14 = tpu.memref_squeeze %dma_start3A_13 : memref<1x640x128xf32, #tpu.memory_space<hbm>> -> memref<640x128xf32, #tpu.memory_space<hbm>>
      %dma_start3A_15 = arith.constant 0 : i32
      %dma_start3A_16 = tpu.memref_slice %arg10[%mul3A_10, %dma_start3A_15] : memref<10240x128xf32, #tpu.memory_space<vmem_shared>> -> memref<640x128xf32, #tpu.memory_space<vmem_shared>>
      tpu.enqueue_dma source(%dma_start3A_16 : memref<640x128xf32, #tpu.memory_space<vmem_shared>>) target(%dma_start3A_14 : memref<640x128xf32, #tpu.memory_space<hbm>>) target_semaphore(%run_scoped3A : memref<!tpu.dma_semaphore, #tpu.memory_space<semaphore_mem>>)
      %dma_wait3A = arith.constant 0 : i32
      %dma_wait3A_17 = tpu.memref_slice %arg6[%arg0, %mul3A_12, %dma_wait3A] : memref<2x10240x128xf32, #tpu.memory_space<hbm>> -> memref<1x640x128xf32, #tpu.memory_space<hbm>>
      %dma_wait3A_18 = tpu.memref_squeeze %dma_wait3A_17 : memref<1x640x128xf32, #tpu.memory_space<hbm>> -> memref<640x128xf32, #tpu.memory_space<hbm>>
      %dma_wait3A_19 = arith.constant 0 : i32
      %dma_wait3A_20 = tpu.memref_slice %arg10[%mul3A_10, %dma_wait3A_19] : memref<10240x128xf32, #tpu.memory_space<vmem_shared>> -> memref<640x128xf32, #tpu.memory_space<vmem_shared>>
      tpu.wait_dma2 semaphore(%run_scoped3A : memref<!tpu.dma_semaphore, #tpu.memory_space<semaphore_mem>>) src(%dma_wait3A_20 : memref<640x128xf32, #tpu.memory_space<vmem_shared>>) dst(%dma_wait3A_18 : memref<640x128xf32, #tpu.memory_space<hbm>>)
      tpu.yield
    }) : () -> ()
    return
  }
}

module attributes {stable_mosaic.version = 14 : i64} {
  func.func @_prep_body(%arg0: memref<10000x1xi32, #tpu.memory_space<vmem>>, %arg1: memref<128x128xf32, #tpu.memory_space<vmem>>, %arg2: memref<2x10240x128xf32, #tpu.memory_space<vmem>>, %arg3: memref<10000x128xf32, #tpu.memory_space<vmem>>, %arg4: memref<10240x128xf32, #tpu.memory_space<vmem>>, %arg5: memref<10000x1xf32, #tpu.memory_space<vmem>>) attributes {dimension_semantics = [], scalar_prefetch = 0 : i64, scratch_operands = 0 : i64, tpu.core_type = #tpu.core_type<tc>} {
    %get3A = arith.constant 0 : index
    %get3A_0 = arith.constant 0 : index
    %get3A_1 = vector.load %arg0[%get3A, %get3A_0] : memref<10000x1xi32, #tpu.memory_space<vmem>>, vector<10000x1xi32>
    %iota3A = tpu.iota {dimensions = array<i32: 1>} : vector<10000x128xi32>
    %eq3A = vector.broadcast %get3A_1 : vector<10000x1xi32> to vector<10000x128xi32>
    %eq3A_2 = arith.cmpi eq, %eq3A, %iota3A : vector<10000x128xi32>
    %convert_element_type3A = arith.extui %eq3A_2 : vector<10000x128xi1> to vector<10000x128xi32>
    %convert_element_type3A_3 = arith.sitofp %convert_element_type3A : vector<10000x128xi32> to vector<10000x128xf32>
    %get3A_4 = arith.constant 0 : index
    %get3A_5 = arith.constant 0 : index
    %get3A_6 = vector.load %arg1[%get3A_4, %get3A_5] : memref<128x128xf32, #tpu.memory_space<vmem>>, vector<128x128xf32>
    %dot_general3A = arith.constant dense<0.000000e+00> : vector<10000x128xf32>
    %dot_general3A_7 = tpu.matmul %convert_element_type3A_3, %get3A_6, %dot_general3A {dimension_numbers = #tpu.dot_dimension_numbers<[1], [0], [0], [1], [0, 0, 1, 1], [], []>, transpose_lhs_hint = false} : vector<10000x128xf32>, vector<128x128xf32>, vector<10000x128xf32> -> vector<10000x128xf32>
    %get3A_8 = arith.constant 0 : index
    %get3A_9 = arith.constant 0 : index
    %get3A_10 = arith.constant 0 : index
    %get3A_11 = vector.load %arg2[%get3A_8, %get3A_9, %get3A_10] : memref<2x10240x128xf32, #tpu.memory_space<vmem>>, vector<1x10000x1xf32>
    %get3A_12 = vector.shape_cast %get3A_11 : vector<1x10000x1xf32> to vector<10000x1xf32>
    %get3A_13 = arith.constant 1 : index
    %get3A_14 = arith.constant 0 : index
    %get3A_15 = arith.constant 0 : index
    %get3A_16 = vector.load %arg2[%get3A_13, %get3A_14, %get3A_15] : memref<2x10240x128xf32, #tpu.memory_space<vmem>>, vector<1x10000x1xf32>
    %get3A_17 = vector.shape_cast %get3A_16 : vector<1x10000x1xf32> to vector<10000x1xf32>
    %add3A = arith.addf %get3A_12, %get3A_17 : vector<10000x1xf32>
    %gt3A = arith.constant 0.000000e+00 : f32
    %gt3A_18 = vector.broadcast %gt3A : f32 to vector<10000x1xf32>
    %gt3A_19 = arith.cmpf ogt, %add3A, %gt3A_18 : vector<10000x1xf32>
    %max3A = arith.constant 1.000000e+00 : f32
    %max3A_20 = vector.broadcast %max3A : f32 to vector<10000x1xf32>
    %max3A_21 = arith.maximumf %add3A, %max3A_20 : vector<10000x1xf32>
    %rsqrt3A = math.rsqrt %max3A_21 : vector<10000x1xf32>
    %jit3A = arith.constant 0.000000e+00 : f32
    %broadcast_in_dim3A = vector.broadcast %jit3A : f32 to vector<10000x1xf32>
    %select_n3A = arith.select %gt3A_19, %rsqrt3A, %broadcast_in_dim3A : vector<10000x1xi1>, vector<10000x1xf32>
    %swap3A = arith.constant 0 : index
    %swap3A_22 = arith.constant 0 : index
    %swap3A_23 = vector.load %arg3[%swap3A, %swap3A_22] : memref<10000x128xf32, #tpu.memory_space<vmem>>, vector<10000x128xf32>
    tpu.vector_store %arg3[%swap3A, %swap3A_22], %dot_general3A_7 {strides = array<i32>} : memref<10000x128xf32, #tpu.memory_space<vmem>>, vector<10000x128xf32>,
    %mul3A = vector.broadcast %select_n3A : vector<10000x1xf32> to vector<10000x128xf32>
    %mul3A_24 = arith.mulf %dot_general3A_7, %mul3A : vector<10000x128xf32>
    %broadcast_in_dim3A_25 = arith.constant 0.000000e+00 : f32
    %broadcast_in_dim3A_26 = vector.broadcast %broadcast_in_dim3A_25 : f32 to vector<240x128xf32>
    %concatenate3A = tpu.concatenate %mul3A_24, %broadcast_in_dim3A_26 in 0 : vector<10000x128xf32>, vector<240x128xf32> -> vector<10240x128xf32>
    %swap3A_27 = arith.constant 0 : index
    %swap3A_28 = arith.constant 0 : index
    %swap3A_29 = vector.load %arg4[%swap3A_27, %swap3A_28] : memref<10240x128xf32, #tpu.memory_space<vmem>>, vector<10240x128xf32>
    tpu.vector_store %arg4[%swap3A_27, %swap3A_28], %concatenate3A {strides = array<i32>} : memref<10240x128xf32, #tpu.memory_space<vmem>>, vector<10240x128xf32>,
    %swap3A_30 = arith.constant 0 : index
    %swap3A_31 = arith.constant 0 : index
    %swap3A_32 = vector.load %arg5[%swap3A_30, %swap3A_31] : memref<10000x1xf32, #tpu.memory_space<vmem>>, vector<10000x1xf32>
    tpu.vector_store %arg5[%swap3A_30, %swap3A_31], %select_n3A {strides = array<i32>} : memref<10000x1xf32, #tpu.memory_space<vmem>>, vector<10000x1xf32>,
    return
  }
}

module attributes {stable_mosaic.version = 14 : i64} {
  func.func @_dense_body(%arg0: memref<10000x128xf32, #tpu.memory_space<vmem>>, %arg1: memref<2x10240x128xf32, #tpu.memory_space<vmem>>, %arg2: memref<10000x1xf32, #tpu.memory_space<vmem>>, %arg3: memref<128x128xf32, #tpu.memory_space<vmem>>, %arg4: memref<128x128xf32, #tpu.memory_space<vmem>>, %arg5: memref<1x128xf32, #tpu.memory_space<vmem>>, %arg6: memref<1x128xf32, #tpu.memory_space<vmem>>, %arg7: memref<1x128xf32, #tpu.memory_space<vmem>>, %arg8: memref<10000x1xf32, #tpu.memory_space<vmem>>, %arg9: memref<10000x128xf32, #tpu.memory_space<vmem>>, %arg10: memref<10240x128xf32, #tpu.memory_space<vmem>>) attributes {dimension_semantics = [], scalar_prefetch = 0 : i64, scratch_operands = 0 : i64, tpu.core_type = #tpu.core_type<tc>} {
    %get3A = arith.constant 0 : index
    %get3A_0 = arith.constant 0 : index
    %get3A_1 = vector.load %arg2[%get3A, %get3A_0] : memref<10000x1xf32, #tpu.memory_space<vmem>>, vector<10000x1xf32>
    %get3A_2 = arith.constant 0 : index
    %get3A_3 = arith.constant 0 : index
    %get3A_4 = vector.load %arg0[%get3A_2, %get3A_3] : memref<10000x128xf32, #tpu.memory_space<vmem>>, vector<10000x128xf32>
    %get3A_5 = arith.constant 0 : index
    %get3A_6 = arith.constant 0 : index
    %get3A_7 = arith.constant 0 : index
    %get3A_8 = vector.load %arg1[%get3A_5, %get3A_6, %get3A_7] : memref<2x10240x128xf32, #tpu.memory_space<vmem>>, vector<1x10000x128xf32>
    %get3A_9 = vector.shape_cast %get3A_8 : vector<1x10000x128xf32> to vector<10000x128xf32>
    %get3A_10 = arith.constant 1 : index
    %get3A_11 = arith.constant 0 : index
    %get3A_12 = arith.constant 0 : index
    %get3A_13 = vector.load %arg1[%get3A_10, %get3A_11, %get3A_12] : memref<2x10240x128xf32, #tpu.memory_space<vmem>>, vector<1x10000x128xf32>
    %get3A_14 = vector.shape_cast %get3A_13 : vector<1x10000x128xf32> to vector<10000x128xf32>
    %add3A = arith.addf %get3A_9, %get3A_14 : vector<10000x128xf32>
    %mul3A = vector.broadcast %get3A_1 : vector<10000x1xf32> to vector<10000x128xf32>
    %mul3A_15 = arith.mulf %add3A, %mul3A : vector<10000x128xf32>
    %get3A_16 = arith.constant 0 : index
    %get3A_17 = arith.constant 0 : index
    %get3A_18 = vector.load %arg3[%get3A_16, %get3A_17] : memref<128x128xf32, #tpu.memory_space<vmem>>, vector<128x128xf32>
    %dot_general3A = arith.constant dense<0.000000e+00> : vector<10000x128xf32>
    %dot_general3A_19 = tpu.matmul %get3A_4, %get3A_18, %dot_general3A {dimension_numbers = #tpu.dot_dimension_numbers<[1], [0], [0], [1], [0, 0, 1, 1], [], []>, transpose_lhs_hint = false} : vector<10000x128xf32>, vector<128x128xf32>, vector<10000x128xf32> -> vector<10000x128xf32>
    %get3A_20 = arith.constant 0 : index
    %get3A_21 = arith.constant 0 : index
    %get3A_22 = vector.load %arg4[%get3A_20, %get3A_21] : memref<128x128xf32, #tpu.memory_space<vmem>>, vector<128x128xf32>
    %dot_general3A_23 = arith.constant dense<0.000000e+00> : vector<10000x128xf32>
    %dot_general3A_24 = tpu.matmul %mul3A_15, %get3A_22, %dot_general3A_23 {dimension_numbers = #tpu.dot_dimension_numbers<[1], [0], [0], [1], [0, 0, 1, 1], [], []>, transpose_lhs_hint = false} : vector<10000x128xf32>, vector<128x128xf32>, vector<10000x128xf32> -> vector<10000x128xf32>
    %sub3A = arith.subf %dot_general3A_19, %dot_general3A_24 : vector<10000x128xf32>
    %get3A_25 = arith.constant 0 : index
    %get3A_26 = arith.constant 0 : index
    %get3A_27 = vector.load %arg5[%get3A_25, %get3A_26] : memref<1x128xf32, #tpu.memory_space<vmem>>, vector<1x128xf32>
    %add3A_28 = vector.broadcast %get3A_27 : vector<1x128xf32> to vector<10000x128xf32>
    %add3A_29 = arith.addf %sub3A, %add3A_28 : vector<10000x128xf32>
    %get3A_30 = arith.constant 0 : index
    %get3A_31 = arith.constant 0 : index
    %get3A_32 = vector.load %arg8[%get3A_30, %get3A_31] : memref<10000x1xf32, #tpu.memory_space<vmem>>, vector<10000x1xf32>
    %mul3A_33 = vector.broadcast %get3A_32 : vector<10000x1xf32> to vector<10000x128xf32>
    %mul3A_34 = arith.mulf %add3A_29, %mul3A_33 : vector<10000x128xf32>
    %reduce_sum3A = arith.constant dense<0.000000e+00> : vector<128xf32>
    %reduce_sum3A_35 = vector.multi_reduction <add>, %mul3A_34, %reduce_sum3A [0] : vector<10000x128xf32> to vector<128xf32>
    %broadcast_in_dim3A = vector.shape_cast %reduce_sum3A_35 : vector<128xf32> to vector<1x128xf32>
    %div3A = arith.constant 1.000000e+04 : f32
    %div3A_36 = vector.broadcast %div3A : f32 to vector<1x128xf32>
    %div3A_37 = arith.divf %broadcast_in_dim3A, %div3A_36 : vector<1x128xf32>
    %sub3A_38 = vector.broadcast %div3A_37 : vector<1x128xf32> to vector<10000x128xf32>
    %sub3A_39 = arith.subf %mul3A_34, %sub3A_38 : vector<10000x128xf32>
    %mul3A_40 = arith.mulf %sub3A_39, %sub3A_39 : vector<10000x128xf32>
    %reduce_sum3A_41 = arith.constant dense<0.000000e+00> : vector<128xf32>
    %reduce_sum3A_42 = vector.multi_reduction <add>, %mul3A_40, %reduce_sum3A_41 [0] : vector<10000x128xf32> to vector<128xf32>
    %broadcast_in_dim3A_43 = vector.shape_cast %reduce_sum3A_42 : vector<128xf32> to vector<1x128xf32>
    %div3A_44 = arith.constant 1.000000e+04 : f32
    %div3A_45 = vector.broadcast %div3A_44 : f32 to vector<1x128xf32>
    %div3A_46 = arith.divf %broadcast_in_dim3A_43, %div3A_45 : vector<1x128xf32>
    %add3A_47 = arith.constant 9.99999974E-6 : f32
    %add3A_48 = vector.broadcast %add3A_47 : f32 to vector<1x128xf32>
    %add3A_49 = arith.addf %div3A_46, %add3A_48 : vector<1x128xf32>
    %rsqrt3A = math.rsqrt %add3A_49 : vector<1x128xf32>
    %mul3A_50 = vector.broadcast %rsqrt3A : vector<1x128xf32> to vector<10000x128xf32>
    %mul3A_51 = arith.mulf %sub3A_39, %mul3A_50 : vector<10000x128xf32>
    %get3A_52 = arith.constant 0 : index
    %get3A_53 = arith.constant 0 : index
    %get3A_54 = vector.load %arg6[%get3A_52, %get3A_53] : memref<1x128xf32, #tpu.memory_space<vmem>>, vector<1x128xf32>
    %mul3A_55 = vector.broadcast %get3A_54 : vector<1x128xf32> to vector<10000x128xf32>
    %mul3A_56 = arith.mulf %mul3A_51, %mul3A_55 : vector<10000x128xf32>
    %get3A_57 = arith.constant 0 : index
    %get3A_58 = arith.constant 0 : index
    %get3A_59 = vector.load %arg7[%get3A_57, %get3A_58] : memref<1x128xf32, #tpu.memory_space<vmem>>, vector<1x128xf32>
    %add3A_60 = vector.broadcast %get3A_59 : vector<1x128xf32> to vector<10000x128xf32>
    %add3A_61 = arith.addf %mul3A_56, %add3A_60 : vector<10000x128xf32>
    %max3A = arith.constant 0.000000e+00 : f32
    %max3A_62 = vector.broadcast %max3A : f32 to vector<10000x128xf32>
    %max3A_63 = arith.maximumf %add3A_61, %max3A_62 : vector<10000x128xf32>
    %add3A_64 = arith.addf %get3A_4, %max3A_63 : vector<10000x128xf32>
    %swap3A = arith.constant 0 : index
    %swap3A_65 = arith.constant 0 : index
    %swap3A_66 = vector.load %arg9[%swap3A, %swap3A_65] : memref<10000x128xf32, #tpu.memory_space<vmem>>, vector<10000x128xf32>
    tpu.vector_store %arg9[%swap3A, %swap3A_65], %add3A_64 {strides = array<i32>} : memref<10000x128xf32, #tpu.memory_space<vmem>>, vector<10000x128xf32>,
    %mul3A_67 = vector.broadcast %get3A_1 : vector<10000x1xf32> to vector<10000x128xf32>
    %mul3A_68 = arith.mulf %add3A_64, %mul3A_67 : vector<10000x128xf32>
    %broadcast_in_dim3A_69 = arith.constant 0.000000e+00 : f32
    %broadcast_in_dim3A_70 = vector.broadcast %broadcast_in_dim3A_69 : f32 to vector<240x128xf32>
    %concatenate3A = tpu.concatenate %mul3A_68, %broadcast_in_dim3A_70 in 0 : vector<10000x128xf32>, vector<240x128xf32> -> vector<10240x128xf32>
    %swap3A_71 = arith.constant 0 : index
    %swap3A_72 = arith.constant 0 : index
    %swap3A_73 = vector.load %arg10[%swap3A_71, %swap3A_72] : memref<10240x128xf32, #tpu.memory_space<vmem>>, vector<10240x128xf32>
    tpu.vector_store %arg10[%swap3A_71, %swap3A_72], %concatenate3A {strides = array<i32>} : memref<10240x128xf32, #tpu.memory_space<vmem>>, vector<10240x128xf32>,
    return
  }
}

module attributes {stable_mosaic.version = 14 : i64} {
  func.func @_final_body(%arg0: memref<10000x128xf32, #tpu.memory_space<vmem>>, %arg1: memref<2x10240x128xf32, #tpu.memory_space<vmem>>, %arg2: memref<10000x1xf32, #tpu.memory_space<vmem>>, %arg3: memref<128x128xf32, #tpu.memory_space<vmem>>, %arg4: memref<128x128xf32, #tpu.memory_space<vmem>>, %arg5: memref<1x128xf32, #tpu.memory_space<vmem>>, %arg6: memref<1x128xf32, #tpu.memory_space<vmem>>, %arg7: memref<1x128xf32, #tpu.memory_space<vmem>>, %arg8: memref<10000x1xf32, #tpu.memory_space<vmem>>, %arg9: memref<128x64xf32, #tpu.memory_space<vmem>>, %arg10: memref<1x64xf32, #tpu.memory_space<vmem>>, %arg11: memref<64x32xf32, #tpu.memory_space<vmem>>, %arg12: memref<1x32xf32, #tpu.memory_space<vmem>>, %arg13: memref<32x6xf32, #tpu.memory_space<vmem>>, %arg14: memref<1x6xf32, #tpu.memory_space<vmem>>, %arg15: memref<10000x6xf32, #tpu.memory_space<vmem>>) attributes {dimension_semantics = [], scalar_prefetch = 0 : i64, scratch_operands = 0 : i64, tpu.core_type = #tpu.core_type<tc>} {
    %get3A = arith.constant 0 : index
    %get3A_0 = arith.constant 0 : index
    %get3A_1 = vector.load %arg0[%get3A, %get3A_0] : memref<10000x128xf32, #tpu.memory_space<vmem>>, vector<10000x128xf32>
    %get3A_2 = arith.constant 0 : index
    %get3A_3 = arith.constant 0 : index
    %get3A_4 = vector.load %arg2[%get3A_2, %get3A_3] : memref<10000x1xf32, #tpu.memory_space<vmem>>, vector<10000x1xf32>
    %get3A_5 = arith.constant 0 : index
    %get3A_6 = arith.constant 0 : index
    %get3A_7 = arith.constant 0 : index
    %get3A_8 = vector.load %arg1[%get3A_5, %get3A_6, %get3A_7] : memref<2x10240x128xf32, #tpu.memory_space<vmem>>, vector<1x10000x128xf32>
    %get3A_9 = vector.shape_cast %get3A_8 : vector<1x10000x128xf32> to vector<10000x128xf32>
    %get3A_10 = arith.constant 1 : index
    %get3A_11 = arith.constant 0 : index
    %get3A_12 = arith.constant 0 : index
    %get3A_13 = vector.load %arg1[%get3A_10, %get3A_11, %get3A_12] : memref<2x10240x128xf32, #tpu.memory_space<vmem>>, vector<1x10000x128xf32>
    %get3A_14 = vector.shape_cast %get3A_13 : vector<1x10000x128xf32> to vector<10000x128xf32>
    %add3A = arith.addf %get3A_9, %get3A_14 : vector<10000x128xf32>
    %mul3A = vector.broadcast %get3A_4 : vector<10000x1xf32> to vector<10000x128xf32>
    %mul3A_15 = arith.mulf %add3A, %mul3A : vector<10000x128xf32>
    %get3A_16 = arith.constant 0 : index
    %get3A_17 = arith.constant 0 : index
    %get3A_18 = vector.load %arg3[%get3A_16, %get3A_17] : memref<128x128xf32, #tpu.memory_space<vmem>>, vector<128x128xf32>
    %dot_general3A = arith.constant dense<0.000000e+00> : vector<10000x128xf32>
    %dot_general3A_19 = tpu.matmul %get3A_1, %get3A_18, %dot_general3A {dimension_numbers = #tpu.dot_dimension_numbers<[1], [0], [0], [1], [0, 0, 1, 1], [], []>, transpose_lhs_hint = false} : vector<10000x128xf32>, vector<128x128xf32>, vector<10000x128xf32> -> vector<10000x128xf32>
    %get3A_20 = arith.constant 0 : index
    %get3A_21 = arith.constant 0 : index
    %get3A_22 = vector.load %arg4[%get3A_20, %get3A_21] : memref<128x128xf32, #tpu.memory_space<vmem>>, vector<128x128xf32>
    %dot_general3A_23 = arith.constant dense<0.000000e+00> : vector<10000x128xf32>
    %dot_general3A_24 = tpu.matmul %mul3A_15, %get3A_22, %dot_general3A_23 {dimension_numbers = #tpu.dot_dimension_numbers<[1], [0], [0], [1], [0, 0, 1, 1], [], []>, transpose_lhs_hint = false} : vector<10000x128xf32>, vector<128x128xf32>, vector<10000x128xf32> -> vector<10000x128xf32>
    %sub3A = arith.subf %dot_general3A_19, %dot_general3A_24 : vector<10000x128xf32>
    %get3A_25 = arith.constant 0 : index
    %get3A_26 = arith.constant 0 : index
    %get3A_27 = vector.load %arg5[%get3A_25, %get3A_26] : memref<1x128xf32, #tpu.memory_space<vmem>>, vector<1x128xf32>
    %add3A_28 = vector.broadcast %get3A_27 : vector<1x128xf32> to vector<10000x128xf32>
    %add3A_29 = arith.addf %sub3A, %add3A_28 : vector<10000x128xf32>
    %get3A_30 = arith.constant 0 : index
    %get3A_31 = arith.constant 0 : index
    %get3A_32 = vector.load %arg8[%get3A_30, %get3A_31] : memref<10000x1xf32, #tpu.memory_space<vmem>>, vector<10000x1xf32>
    %mul3A_33 = vector.broadcast %get3A_32 : vector<10000x1xf32> to vector<10000x128xf32>
    %mul3A_34 = arith.mulf %add3A_29, %mul3A_33 : vector<10000x128xf32>
    %reduce_sum3A = arith.constant dense<0.000000e+00> : vector<128xf32>
    %reduce_sum3A_35 = vector.multi_reduction <add>, %mul3A_34, %reduce_sum3A [0] : vector<10000x128xf32> to vector<128xf32>
    %broadcast_in_dim3A = vector.shape_cast %reduce_sum3A_35 : vector<128xf32> to vector<1x128xf32>
    %div3A = arith.constant 1.000000e+04 : f32
    %div3A_36 = vector.broadcast %div3A : f32 to vector<1x128xf32>
    %div3A_37 = arith.divf %broadcast_in_dim3A, %div3A_36 : vector<1x128xf32>
    %sub3A_38 = vector.broadcast %div3A_37 : vector<1x128xf32> to vector<10000x128xf32>
    %sub3A_39 = arith.subf %mul3A_34, %sub3A_38 : vector<10000x128xf32>
    %mul3A_40 = arith.mulf %sub3A_39, %sub3A_39 : vector<10000x128xf32>
    %reduce_sum3A_41 = arith.constant dense<0.000000e+00> : vector<128xf32>
    %reduce_sum3A_42 = vector.multi_reduction <add>, %mul3A_40, %reduce_sum3A_41 [0] : vector<10000x128xf32> to vector<128xf32>
    %broadcast_in_dim3A_43 = vector.shape_cast %reduce_sum3A_42 : vector<128xf32> to vector<1x128xf32>
    %div3A_44 = arith.constant 1.000000e+04 : f32
    %div3A_45 = vector.broadcast %div3A_44 : f32 to vector<1x128xf32>
    %div3A_46 = arith.divf %broadcast_in_dim3A_43, %div3A_45 : vector<1x128xf32>
    %add3A_47 = arith.constant 9.99999974E-6 : f32
    %add3A_48 = vector.broadcast %add3A_47 : f32 to vector<1x128xf32>
    %add3A_49 = arith.addf %div3A_46, %add3A_48 : vector<1x128xf32>
    %rsqrt3A = math.rsqrt %add3A_49 : vector<1x128xf32>
    %mul3A_50 = vector.broadcast %rsqrt3A : vector<1x128xf32> to vector<10000x128xf32>
    %mul3A_51 = arith.mulf %sub3A_39, %mul3A_50 : vector<10000x128xf32>
    %get3A_52 = arith.constant 0 : index
    %get3A_53 = arith.constant 0 : index
    %get3A_54 = vector.load %arg6[%get3A_52, %get3A_53] : memref<1x128xf32, #tpu.memory_space<vmem>>, vector<1x128xf32>
    %mul3A_55 = vector.broadcast %get3A_54 : vector<1x128xf32> to vector<10000x128xf32>
    %mul3A_56 = arith.mulf %mul3A_51, %mul3A_55 : vector<10000x128xf32>
    %get3A_57 = arith.constant 0 : index
    %get3A_58 = arith.constant 0 : index
    %get3A_59 = vector.load %arg7[%get3A_57, %get3A_58] : memref<1x128xf32, #tpu.memory_space<vmem>>, vector<1x128xf32>
    %add3A_60 = vector.broadcast %get3A_59 : vector<1x128xf32> to vector<10000x128xf32>
    %add3A_61 = arith.addf %mul3A_56, %add3A_60 : vector<10000x128xf32>
    %max3A = arith.constant 0.000000e+00 : f32
    %max3A_62 = vector.broadcast %max3A : f32 to vector<10000x128xf32>
    %max3A_63 = arith.maximumf %add3A_61, %max3A_62 : vector<10000x128xf32>
    %add3A_64 = arith.addf %get3A_1, %max3A_63 : vector<10000x128xf32>
    %get3A_65 = arith.constant 0 : index
    %get3A_66 = arith.constant 0 : index
    %get3A_67 = vector.load %arg9[%get3A_65, %get3A_66] : memref<128x64xf32, #tpu.memory_space<vmem>>, vector<128x64xf32>
    %dot_general3A_68 = arith.constant dense<0.000000e+00> : vector<10000x64xf32>
    %dot_general3A_69 = tpu.matmul %add3A_64, %get3A_67, %dot_general3A_68 {dimension_numbers = #tpu.dot_dimension_numbers<[1], [0], [0], [1], [0, 0, 1, 1], [], []>, transpose_lhs_hint = false} : vector<10000x128xf32>, vector<128x64xf32>, vector<10000x64xf32> -> vector<10000x64xf32>
    %get3A_70 = arith.constant 0 : index
    %get3A_71 = arith.constant 0 : index
    %get3A_72 = vector.load %arg10[%get3A_70, %get3A_71] : memref<1x64xf32, #tpu.memory_space<vmem>>, vector<1x64xf32>
    %add3A_73 = vector.broadcast %get3A_72 : vector<1x64xf32> to vector<10000x64xf32>
    %add3A_74 = arith.addf %dot_general3A_69, %add3A_73 : vector<10000x64xf32>
    %max3A_75 = arith.constant 0.000000e+00 : f32
    %max3A_76 = vector.broadcast %max3A_75 : f32 to vector<10000x64xf32>
    %max3A_77 = arith.maximumf %add3A_74, %max3A_76 : vector<10000x64xf32>
    %get3A_78 = arith.constant 0 : index
    %get3A_79 = arith.constant 0 : index
    %get3A_80 = vector.load %arg11[%get3A_78, %get3A_79] : memref<64x32xf32, #tpu.memory_space<vmem>>, vector<64x32xf32>
    %dot_general3A_81 = arith.constant dense<0.000000e+00> : vector<10000x32xf32>
    %dot_general3A_82 = tpu.matmul %max3A_77, %get3A_80, %dot_general3A_81 {dimension_numbers = #tpu.dot_dimension_numbers<[1], [0], [0], [1], [0, 0, 1, 1], [], []>, transpose_lhs_hint = false} : vector<10000x64xf32>, vector<64x32xf32>, vector<10000x32xf32> -> vector<10000x32xf32>
    %get3A_83 = arith.constant 0 : index
    %get3A_84 = arith.constant 0 : index
    %get3A_85 = vector.load %arg12[%get3A_83, %get3A_84] : memref<1x32xf32, #tpu.memory_space<vmem>>, vector<1x32xf32>
    %add3A_86 = vector.broadcast %get3A_85 : vector<1x32xf32> to vector<10000x32xf32>
    %add3A_87 = arith.addf %dot_general3A_82, %add3A_86 : vector<10000x32xf32>
    %max3A_88 = arith.constant 0.000000e+00 : f32
    %max3A_89 = vector.broadcast %max3A_88 : f32 to vector<10000x32xf32>
    %max3A_90 = arith.maximumf %add3A_87, %max3A_89 : vector<10000x32xf32>
    %get3A_91 = arith.constant 0 : index
    %get3A_92 = arith.constant 0 : index
    %get3A_93 = vector.load %arg13[%get3A_91, %get3A_92] : memref<32x6xf32, #tpu.memory_space<vmem>>, vector<32x6xf32>
    %dot_general3A_94 = arith.constant dense<0.000000e+00> : vector<10000x6xf32>
    %dot_general3A_95 = tpu.matmul %max3A_90, %get3A_93, %dot_general3A_94 {dimension_numbers = #tpu.dot_dimension_numbers<[1], [0], [0], [1], [0, 0, 1, 1], [], []>, transpose_lhs_hint = false} : vector<10000x32xf32>, vector<32x6xf32>, vector<10000x6xf32> -> vector<10000x6xf32>
    %get3A_96 = arith.constant 0 : index
    %get3A_97 = arith.constant 0 : index
    %get3A_98 = vector.load %arg14[%get3A_96, %get3A_97] : memref<1x6xf32, #tpu.memory_space<vmem>>, vector<1x6xf32>
    %add3A_99 = vector.broadcast %get3A_98 : vector<1x6xf32> to vector<10000x6xf32>
    %add3A_100 = arith.addf %dot_general3A_95, %add3A_99 : vector<10000x6xf32>
    %swap3A = arith.constant 0 : index
    %swap3A_101 = arith.constant 0 : index
    %swap3A_102 = vector.load %arg15[%swap3A, %swap3A_101] : memref<10000x6xf32, #tpu.memory_space<vmem>>, vector<10000x6xf32>
    tpu.vector_store %arg15[%swap3A, %swap3A_101], %add3A_100 {strides = array<i32>} : memref<10000x6xf32, #tpu.memory_space<vmem>>, vector<10000x6xf32>,
    return
  }
}

</mosaic_0001>

<sc_bundles>
// kernel: kernel.12.cloned.1.call-start
scs
__scs_entry_jumppad:
0x0: {  	(pc) =	sbr.rel $0x88, $3  }
0x1: {  	(tag) =	ssettag $0x0;
	lr =	simm.s32 $0x1  }
0x2: {  	[smem:$0x3F92] =	sst lr;
	_ =	strace $0xD0000000  }
0x3: {  	_ = 	snop  }
0x4: {  	_ = 	snop  }
0x5: {  	_ = 	snop  }
0x6: {  	_ = 	snop  }
0x7: {  	_ = 	snop  }
__scs_overlays_trampoline_lowered:
0x8: {  	[smem:$0x3FA1] =	sst s0  }
0x9: {  	[smem:$0x3FA2] =	sst s1  }
0xa: {  	[smem:$0x3FA3] =	sst s2  }
0xb: {  	[smem:$0x3FA4] =	sst s3  }
0xc: {  	[smem:$0x3FA5] =	sst s4  }
0xd: {  	[smem:$0x3FA6] =	sst s5  }
0xe: {  	[smem:$0x3FA7] =	sst s6  }
0xf: {  	[smem:$0x3FA8] =	sst s7  }
0x10: {  	[smem:$0x3FA9] =	sst s8  }
0x11: {  	[smem:$0x3FAA] =	sst s9;
	s0 =	simm.s32 @!p0 $0x0  }
0x12: {  	s1 =	sld [smem:$0x3F90];
	s0 =	simm.s32 @p0 $0x1  }
0x13: {  	[smem:$0x3FAB] =	sst s0;
	s0 =	simm.s32 @!p1 $0x0  }
0x14: {  	s2 =	sld [smem:$0x3F8F];
	s0 =	simm.s32 @p1 $0x1  }
0x15: {  	[smem:$0x3FAC] =	sst s0;
	s0 =	simm.s32 @!p2 $0x0  }
0x16: {  	s3 =	sld [smem:$0x3FDB];
	s0 =	simm.s32 @p2 $0x1  }
0x17: {  	s4 =	simm.s32 $0x1BF5;
	[smem:$0x3FAE] =	sst s0  }
0x18: {  	s0 =	sld [smem:$0x3F91];
	_ =	swait.ge [sflag:s4], $0x0  }
0x19: {  	s7 =	sld [smem:$0x3F92]  }
0x1a: {  	s8 =	sadd.s32 $0xFFFFE003, lr  }
0x1b: {  	s9 =	sadd.s32 $0xFFFFFEF7, lr;
	s5 =	simm.s32 $0xFFFFFFFF;
	p2 =	slt.u32 s8, $0xFFFFF086  }
0x1c: {  	p1 =	slt.u32 s9, $0xF7A;
	s5 =	simm.s32 @!p2 $0x0  }
0x1d: {  	s5 =	simm.s32 @p1 $0x1;
	p0 =	seq.s32 s7, s2  }
0x1e: {  	s7 =	smul.u32 @!p0 $0xF7A, s2;
	p2 =	seq.s32 @!p0 s5, $0x0  }
0x1f: {  	s9 =	smul.u32 $0xF7A, s1;
	s8 =	simm.s32 @!p0 $0x1BF5;
	p2 =	por !p2, p0  }
0x20: {  	[sflag:s8] =	ssyncset.s32 @!p0 $0xFFFFF086;
	s6 =	sadd.s32 @!p0 s3, s7;
	s7 =	simm.s32 @!p0 $0x108  }
0x21: {  	s3 =	sadd.s32 s3, s9;
	s6 =	sadd.s32 @!p0 $0x88, s6;
	s7 =	simm.s32 @p2 $0x1082  }
0x22: {  	[simem:s7], [sflag:s8] =	dma.local @!p0 [hbm:s6], $0xF7A  }
0x23: {  	s9 =	sor.u32 $0xD0000000, s2;
	s6 =	simm.s32 $0x108;
	_ =	swait.ge @!p0 [sflag:s8], $0x0  }
0x24: {  	s3 =	sadd.s32 $0x88, s3;
	s6 =	simm.s32 @!p1 $0x1082;
	[sflag:s4] =	ssyncset.s32 $0xFFFFF086  }
0x25: {  	[simem:s6], [sflag:s4] =	dma.local [hbm:s3], $0xF7A  }
0x26: {  	[smem:$0x3F92] =	sst s1;
	(tag) =	ssettag s2;
	_ =	strace s9  }
0x27: {  	s1 =	sld [smem:$0x3FA2]  }
0x28: {  	s2 =	sld [smem:$0x3FA3]  }
0x29: {  	s4 =	sld [smem:$0x3FA5]  }
0x2a: {  	p0 =	seq.s32 s5, $0x0;
	s5 =	sld [smem:$0x3FA6]  }
0x2b: {  	s6 =	sld [smem:$0x3FA7]  }
0x2c: {  	s7 =	sld [smem:$0x3FA8]  }
0x2d: {  	s3 =	simm.s32 $0x108;
	s8 =	sld [smem:$0x3FA9]  }
0x2e: {  	s3 =	simm.s32 @!p0 $0x1082;
	s9 =	sld [smem:$0x3FAA]  }
0x2f: {  	lr =	sadd.s32 s0, s3;
	s0 =	sld [smem:$0x3FA1]  }
0x30: {  	s3 =	sld [smem:$0x3FA4]  }
0x31: {  	[smem:$0x3FAD] =	sst s10  }
0x32: {  	s10 =	sld [smem:$0x3FAB];
	_ =	sdelay $0x3  }
0x33: {  	p0 =	seq.s32 s10, $0x1;
	s10 =	sld [smem:$0x3FAD];
	_ =	sdelay $0x3  }
0x34: {  	[smem:$0x3FAD] =	sst s10  }
0x35: {  	s10 =	sld [smem:$0x3FAC];
	_ =	sdelay $0x3  }
0x36: {  	p1 =	seq.s32 s10, $0x1;
	s10 =	sld [smem:$0x3FAD];
	_ =	sdelay $0x3  }
0x37: {  	[smem:$0x3FAD] =	sst s10  }
0x38: {  	s10 =	sld [smem:$0x3FAE]  }
0x39: {  	_ = 	snop;
	(pc) =	sbr.ind lr, $3  }
0x3a: {  	_ = 	snop  }
0x3b: {  	_ = 	snop  }
0x3c: {  	p2 =	seq.s32 s10, $0x1;
	s10 =	sld [smem:$0x3FAD]  }
0x3d: {  	_ =	shalt  }
0x3e: {  	_ =	shalt  }
0x3f: {  	_ =	shalt  }
0x40: {  	_ =	shalt  }
0x41: {  	_ =	shalt  }
0x42: {  	_ =	shalt  }
0x43: {  	_ =	shalt  }
0x44: {  	_ =	shalt  }
0x45: {  	_ =	shalt  }
0x46: {  	_ =	shalt  }
0x47: {  	_ =	shalt  }
0x48: {  	_ =	shalt  }
0x49: {  	_ =	shalt  }
0x4a: {  	_ =	shalt  }
0x4b: {  	_ =	shalt  }
0x4c: {  	_ =	shalt  }
0x4d: {  	_ =	shalt  }
0x4e: {  	_ =	shalt  }
0x4f: {  	_ =	shalt  }
0x50: {  	_ =	shalt  }
0x51: {  	_ =	shalt  }
0x52: {  	_ =	shalt  }
0x53: {  	_ =	shalt  }
0x54: {  	_ =	shalt  }
0x55: {  	_ =	shalt  }
0x56: {  	_ =	shalt  }
0x57: {  	_ =	shalt  }
0x58: {  	_ =	shalt  }
0x59: {  	_ =	shalt  }
0x5a: {  	_ =	shalt  }
0x5b: {  	_ =	shalt  }
0x5c: {  	_ =	shalt  }
0x5d: {  	_ =	shalt  }
0x5e: {  	_ =	shalt  }
0x5f: {  	_ =	shalt  }
0x60: {  	_ =	shalt  }
0x61: {  	_ =	shalt  }
0x62: {  	_ =	shalt  }
0x63: {  	_ =	shalt  }
0x64: {  	_ =	shalt  }
0x65: {  	_ =	shalt  }
0x66: {  	_ =	shalt  }
0x67: {  	_ =	shalt  }
0x68: {  	_ =	shalt  }
0x69: {  	_ =	shalt  }
0x6a: {  	_ =	shalt  }
0x6b: {  	_ =	shalt  }
0x6c: {  	_ =	shalt  }
0x6d: {  	_ =	shalt  }
0x6e: {  	_ =	shalt  }
0x6f: {  	_ =	shalt  }
0x70: {  	_ =	shalt  }
0x71: {  	_ =	shalt  }
0x72: {  	_ =	shalt  }
0x73: {  	_ =	shalt  }
0x74: {  	_ =	shalt  }
0x75: {  	_ =	shalt  }
0x76: {  	_ =	shalt  }
0x77: {  	_ =	shalt  }
0x78: {  	_ =	shalt  }
0x79: {  	_ =	shalt  }
0x7a: {  	_ =	shalt  }
0x7b: {  	_ =	shalt  }
0x7c: {  	_ =	shalt  }
0x7d: {  	_ =	shalt  }
0x7e: {  	_ =	shalt  }
0x7f: {  	_ =	shalt  }
0x80: {  	_ =	shalt  }
0x81: {  	_ =	shalt  }
0x82: {  	_ =	shalt  }
0x83: {  	_ =	shalt  }
0x84: {  	_ =	shalt  }
0x85: {  	_ =	shalt  }
0x86: {  	_ =	shalt  }
0x87: {  	_ =	shalt  }
.Lfunc_end0:
.L_simem_size_0:
called_computation_lowered:
.L_overlay_start_0:
0x88: {  	s2 =	sld [smem:$0x3FD9]  }
0x89: {  	s3 =	sld [smem:$0x3FFE];
	_ =	sdelay $0x1  }
0x8a: {  	s1 =	srdreg.scid  }
0x8b: {  	s0 =	sand.u32 $0x1, s1  }
0x8c: {  	s17 =	sshll.u32 s0, $0xA;
	s2 =	sadd.s32 s3, s2  }
0x8d: {  	s2 =	sadd.s32 s2, s17  }
0x8e: {  	[smem:$0x3FB9] =	sst s2  }
0x8f: {  	_ = 	snop  }
0x90: {  	s2 =	sld [smem:$0x3FD0];
	(tm) =	ssettm $0x1  }
0x91: {  	s18 =	sld [smem:$0x3FFB];
	_ =	sdelay $0x3  }
0x92: {  	_ =	strace s18  }
0x93: {  	s3 =	sld [smem:$0x3FFC];
	_ =	sdelay $0x3  }
0x94: {  	_ =	strace s3  }
0x95: {  	s3 =	sld [smem:$0x3FFD];
	_ =	sdelay $0x3  }
0x96: {  	_ =	strace s3  }
0x97: {  	_ =	strace $0x8FFFFFFF  }
0x98: {  	s19 =	sld [smem:$0x3FDB];
	_ =	sdelay $0x1  }
0x99: {  	s4 =	simm.s32 $_scs_section_size  }
0x9a: {  	s5 =	simm.s32 $_size__tile_overlayer_lowered;
	s6 =	simm.s32 $_tile_overlayer_lowered  }
0x9b: {  	s22 =	simm.s32 $0x1BFF;
	s21 =	sshll.u32 s6, $0x1;
	s3 =	sadd.s32 s4, s19  }
0x9c: {  	s7 =	simm.s32 $0x0;
	s20 =	sshll.u32 s5, $0x1;
	s5 =	sadd.s32 s21, s3  }
0x9d: {  	[timem:s7], [sflag:s22] =	dma.local [hbm:s5], s20  }
0x9e: {  	_ =	swait.ge [sflag:s22], s20  }
0x9f: {  	s4 =	ssub.s32 $0x0, s20;
	[sflag:s22] =	ssyncset.done $0x0  }
0xa0: {  	[sflag:s22] =	ssyncadd.s32 s4;
	_ =	sdelay $0x1  }
0xa1: {  	s23 =	simm.s32 $0x1B8B  }
0xa2: {  	_ =	swait.ge [sflag:s23], $0x1  }
0xa3: {  	[sflag:s23] =	ssyncset.done $0x0  }
0xa4: {  	s25 =	simm.s32 $0x1B8E;
	s24 =	sld [smem:$0x3FFE];
	[sflag:s23] =	ssyncadd.s32 $0xFFFFFFFF  }
0xa5: {  	s26 =	simm.s32 $execute0_lowered;
	[smem:$0x3FD2] =	sst s25  }
0xa6: {  	s5 =	sshll.u32 s26, $0x1;
	_ =	strace $0x80000046;
	[dreg:$0x1] =	wrdreg $0xFFFFFFFF  }
0xa7: {  	s28 =	simm.s32 $_size_execute0_lowered;
	s3 =	sadd.s32 s3, s5;
	[dreg:$0x0] =	wrdreg $0x0  }
0xa8: {  	s5 =	sshll.u32 s28, $0x1;
	[dreg:$0x2] =	wrdreg s3  }
0xa9: {  	[dreg:$0x3] =	wrdreg s5  }
0xaa: {  	[dreg:$0x4] =	wrdreg $0xC0  }
0xab: {  	_ =	task [dreg:s7], $0x5FFFF  }
0xac: {  	[dreg:$0x1] =	wrdreg $0xFFFFFFFF  }
0xad: {  	[dreg:$0x0] =	wrdreg $0x60  }
0xae: {  	[dreg:$0x2] =	wrdreg s24  }
0xaf: {  	[dreg:$0x3] =	wrdreg s2  }
0xb0: {  	[dreg:$0x4] =	wrdreg $0x68000  }
0xb1: {  	[dreg:$0x5] =	wrdreg $0x9  }
0xb2: {  	_ =	task.clear_ibuf [dreg:s7], $0x6FFFF;
	_ =	strace $0x90000046  }
0xb3: {  	s29 =	simm.s32 $0x9;
	_ =	strace $0x80000048  }
0xb4: {  	_ =	swait.ge [sflag:s29], $0x1  }
0xb5: {  	[sflag:s29] =	ssyncadd.s32 $0xFFFFFFFF  }
0xb6: {  	_ =	strace $0x90000048  }
0xb7: {  	_ =	sfence  }
0xb8: {  	s30 =	sld [smem:$0x0];
	_ =	sdelay $0x2  }
0xb9: {  	s31 =	sshll.u32 s1, $0xD;
	s1 =	sshrl.u32 s1, $0x2  }
0xba: {  	s3 =	sand.u32 $0x4000, s31;
	s1 =	sadd.s32 s1, s30  }
0xbb: {  	s0 =	sor.u32 s3, s0;
	s1 =	sshll.u32 s1, $0x11  }
0xbc: {  	s0 =	sor.u32 s1, s0  }
0xbd: {  	s0 =	sadd.s32 $0x8F2B, s0  }
0xbe: {  	[sflag:s0] =	ssyncadd.remote.s32 $0x1  }
0xbf: {  	_ =	sfence.sel $0xFFFF  }
0xc0: {  	[dreg:$0x0] =	wrdreg $0xFFFFFFFF;
	(pc) =	sbr.abs _section_cstart, $3  }
0xc1: {  	[dreg:$0x1] =	wrdreg $0xFFFFFFFF  }
0xc2: {  	_ =	task.clear_ibuf [dreg:s7], $0x2FFFF;
	_ =	strace $0x9FFFFFFF  }
0xc3: {  	(tm) =	ssettm $0x7FFFFFFF  }
tec
execute0_lowered:
.L_overlay_start_1:
0x0: {  	(tag) =	ssettag $0x1  }
0x1: {  	s6 =	rddreg [dreg:$0x0]  }
0x2: {  	s2 =	rddreg [dreg:$0x1];
	s0 =	srdreg.scid  }
0x3: {  	s3 =	rddreg [dreg:$0x2];
	s1 =	stileid.u32;
	s4 =	simm.s32 $0x0  }
0x4: {  	s13 =	simm.s32 $0x50;
	s5 =	sand.u32 $0x1, s0;
	s0 =	rddreg [dreg:$0x3]  }
0x5: {  	s14 =	simm.s32 $0x0;
	s8 =	smul.u32 $0x14000, s1;
	[smem:$0x7FF] =	sst s4  }
0x6: {  	s10 =	smul.u32 $0x50000, s1;
	s30 =	sshll.u32 s1, $0xC;
	s31 =	sshll.u32 s1, $0x6  }
0x7: {  	s7 =	smul.u32 $0x140000, s5;
	s9 =	sshll.u32 s5, $0xB;
	_ =	strace $0x80000047  }
0x8: {  	s26 =	ssub.s32 $0x2, s5;
	s5 =	sadd.s32 $0x13C00, s6;
	s9 =	sadd.s32 s9, s6  }
0x9: {  	s28 =	sshrl.u32 s26, $0x1;
	s29 =	sshrl.u32 s10, $0x2;
	s7 =	sadd.s32 s8, s7  }
0xa: {  	s12 =	ssub.s32 s26, s28;
	s10 =	sadd.s32 s29, s3;
	s7 =	sshrl.u32 s7, $0x3  }
0xb: {  	s10 =	sshrl.u32 s10, $0x3;
	s11 =	sadd.s32 s7, s6;
	s7 =	sadd.s32 s30, s9  }
0xc: {  	s6 =	sor.u32 $0x1C01, s31;
	s9 =	smax.u32 s12, $0x1;
	s12 =	simm.s32 $0x4000  }
0xd: {  	s7 =	sadd.s32 $0x3C00, s7;
	s8 =	sadd.s32 $0x16400, s11;
	s11 =	simm.s32 $0x1  }
.LBB2_1:
0xe: {  	[spmem:s10], [sflag:s6] =	dma.local [hbm:s5], $0x2800  }
0xf: {  	_ =	swait.ge [sflag:s11], $0x2800  }
0x10: {  	[sflag:s11] =	ssyncset.done $0x0  }
0x11: {  	[sflag:s11] =	ssyncadd.s32 $0xFFFFD800  }
0x12: {  	[tilespmem:s4], [sflag:$0x1] =	stream.linear.gather [hbm4b:s7+s4], $0x3E80, $0x38;
	[tilespmem:$0x1A800] =	vst v63  }
0x13: {  	_ =	swait.ge [sflag:s11], $0x3E80  }
0x14: {  	[sflag:s11] =	ssyncset.done $0x0  }
0x15: {  	[sflag:s11] =	ssyncadd.s32 $0xFFFFC180  }
0x16: {  	[tilespmem:s12], [sflag:$0x1] =	stream.linear.gather [hbm4b:s2+s4], $0x2800, $0x38;
	[tilespmem:$0x1A800] =	vst v63  }
0x17: {  	_ =	swait.ge [sflag:s11], $0x2800  }
0x18: {  	[sflag:s11] =	ssyncset.done $0x0  }
0x19: {  	[sflag:s11] =	ssyncadd.s32 $0xFFFFD800  }
0x1a: {  	s15 =	simm.s32 $0x0;
	[bflag:$0x0] =	sbarrier.arrive $0xFFFF  }
0x1b: {  	[spmem:s3] =	stream.indirect.scatter.add.f32 [tilespmem:s12], [sflag:$0x1], $0x80, s15, s13, $0xb8;
	[tilespmem:$0x1A800] =	vst v63  }
0x1c: {  	_ =	swait.ge [sflag:s11], $0x2800  }
0x1d: {  	s15 =	simm.s32 $0x200;
	[sflag:s11] =	ssyncset.done $0x0  }
.LBB2_2:
0x1e: {  	s16 =	sshra.s32 s15, $0x2;
	[sflag:s11] =	ssyncadd.s32 $0xFFFFD800;
	p0 =	sne.s32 s15, $0xF800  }
0x1f: {  	[spmem:s3] =	stream.indirect.scatter.add.f32 [tilespmem:s12], [sflag:$0x1], $0x80, s16, s13, $0xb8;
	[tilespmem:$0x1A800] =	vst v63  }
.Ltmp0:
0x20: {  	_ = 	snop;
	(pc) =	sbr.rel @p0 .LBB2_2-.Ltmp0, $4  }
0x21: {  	_ = 	snop  }
0x22: {  	s15 =	sadd.s32 $0x200, s15  }
0x23: {  	_ =	swait.ge [sflag:s11], $0x2800  }
0x24: {  	[sflag:s11] =	ssyncset.done $0x0  }
0x25: {  	s14 =	sadd.s32 $0x1, s14  }
0x26: {  	[sflag:s11] =	ssyncadd.s32 $0xFFFFD800;
	p0 =	sne.s32 s14, s9  }
.Ltmp1:
0x27: {  	[bflag:$0x0] =	sbarrier.arrive $0xFFFF;
	(pc) =	sbr.rel @p0 .LBB2_1-.Ltmp1, $4  }
0x28: {  	[hbm:s8], [sflag:s6] =	dma.local [spmem:s10], $0x2800  }
0x29: {  	_ =	swait.ge [sflag:s11], $0x2800  }
0x2a: {  	[sflag:s11] =	ssyncset.done $0x0  }
0x2b: {  	[sflag:s11] =	ssyncadd.s32 $0xFFFFD800  }
0x2c: {  	_ =	sfence.sel $0x180000  }
0x2d: {  	[bflag:$0x0] =	sbarrier.arrive $0xFFFF  }
0x2e: {  	p0 =	sne.s32 s1, $0x0;
	_ =	strace $0x90000047  }
0x2f: {  	s0 =	sadd.s32 @!p0 $0x100000, s0;
	[bflag:$0x2] =	sbarrier.arrive $0xFFFF  }
0x30: {  	[sflag:s0] =	ssyncadd.tile.s32 @!p0 $0x1;
	_ =	shalt  }
.Lfunc_end2:
_tile_overlayer_lowered:
.L_overlay_start_2:
0x31: {  	(tag) =	ssettag $0x2  }
0x32: {  	s0 =	rddreg [dreg:$0x0];
	s2 =	stileid.u32  }
0x33: {  	s1 =	rddreg [dreg:$0x1];
	p0 =	sne.s32 s2, $0x0  }
0x34: {  	s3 =	rddreg [dreg:$0x2];
	[bflag:$0x3] =	sbarrier.arrive $0xFFFF;
	s2 =	simm.s32 @!p0 $0x1C01  }
0x35: {  	[timem:s3], [sflag:s2] =	dma.local @!p0 [hbm:s0], s1  }
0x36: {  	s0 =	simm.s32 @!p0 $0x1  }
0x37: {  	_ =	swait.ge @!p0 [sflag:s0], s1  }
0x38: {  	s1 =	ssub.s32 @!p0 $0x0, s1;
	[sflag:s0] =	ssyncset.done @!p0 $0x0  }
0x39: {  	[sflag:s0] =	ssyncadd.s32 @!p0 s1  }
0x3a: {  	[bflag:$0x3] =	sbarrier.arrive $0xFFFF  }
0x3b: {  	_ =	shalt  }

// kernel: kernel.15.cloned.1.call-start
scs
__scs_entry_jumppad:
0x0: {  	(pc) =	sbr.rel $0x88, $3  }
0x1: {  	(tag) =	ssettag $0x0;
	lr =	simm.s32 $0x1  }
0x2: {  	[smem:$0x3F92] =	sst lr;
	_ =	strace $0xD0000000  }
0x3: {  	_ = 	snop  }
0x4: {  	_ = 	snop  }
0x5: {  	_ = 	snop  }
0x6: {  	_ = 	snop  }
0x7: {  	_ = 	snop  }
__scs_overlays_trampoline_lowered:
0x8: {  	[smem:$0x3FA1] =	sst s0  }
0x9: {  	[smem:$0x3FA2] =	sst s1  }
0xa: {  	[smem:$0x3FA3] =	sst s2  }
0xb: {  	[smem:$0x3FA4] =	sst s3  }
0xc: {  	[smem:$0x3FA5] =	sst s4  }
0xd: {  	[smem:$0x3FA6] =	sst s5  }
0xe: {  	[smem:$0x3FA7] =	sst s6  }
0xf: {  	[smem:$0x3FA8] =	sst s7  }
0x10: {  	[smem:$0x3FA9] =	sst s8  }
0x11: {  	[smem:$0x3FAA] =	sst s9;
	s0 =	simm.s32 @!p0 $0x0  }
0x12: {  	s1 =	sld [smem:$0x3F90];
	s0 =	simm.s32 @p0 $0x1  }
0x13: {  	[smem:$0x3FAB] =	sst s0;
	s0 =	simm.s32 @!p1 $0x0  }
0x14: {  	s2 =	sld [smem:$0x3F8F];
	s0 =	simm.s32 @p1 $0x1  }
0x15: {  	[smem:$0x3FAC] =	sst s0;
	s0 =	simm.s32 @!p2 $0x0  }
0x16: {  	s3 =	sld [smem:$0x3FDB];
	s0 =	simm.s32 @p2 $0x1  }
0x17: {  	s4 =	simm.s32 $0x1BF5;
	[smem:$0x3FAE] =	sst s0  }
0x18: {  	s0 =	sld [smem:$0x3F91];
	_ =	swait.ge [sflag:s4], $0x0  }
0x19: {  	s7 =	sld [smem:$0x3F92]  }
0x1a: {  	s8 =	sadd.s32 $0xFFFFE003, lr  }
0x1b: {  	s9 =	sadd.s32 $0xFFFFFEF7, lr;
	s5 =	simm.s32 $0xFFFFFFFF;
	p2 =	slt.u32 s8, $0xFFFFF086  }
0x1c: {  	p1 =	slt.u32 s9, $0xF7A;
	s5 =	simm.s32 @!p2 $0x0  }
0x1d: {  	s5 =	simm.s32 @p1 $0x1;
	p0 =	seq.s32 s7, s2  }
0x1e: {  	s7 =	smul.u32 @!p0 $0xF7A, s2;
	p2 =	seq.s32 @!p0 s5, $0x0  }
0x1f: {  	s9 =	smul.u32 $0xF7A, s1;
	s8 =	simm.s32 @!p0 $0x1BF5;
	p2 =	por !p2, p0  }
0x20: {  	[sflag:s8] =	ssyncset.s32 @!p0 $0xFFFFF086;
	s6 =	sadd.s32 @!p0 s3, s7;
	s7 =	simm.s32 @!p0 $0x108  }
0x21: {  	s3 =	sadd.s32 s3, s9;
	s6 =	sadd.s32 @!p0 $0x88, s6;
	s7 =	simm.s32 @p2 $0x1082  }
0x22: {  	[simem:s7], [sflag:s8] =	dma.local @!p0 [hbm:s6], $0xF7A  }
0x23: {  	s9 =	sor.u32 $0xD0000000, s2;
	s6 =	simm.s32 $0x108;
	_ =	swait.ge @!p0 [sflag:s8], $0x0  }
0x24: {  	s3 =	sadd.s32 $0x88, s3;
	s6 =	simm.s32 @!p1 $0x1082;
	[sflag:s4] =	ssyncset.s32 $0xFFFFF086  }
0x25: {  	[simem:s6], [sflag:s4] =	dma.local [hbm:s3], $0xF7A  }
0x26: {  	[smem:$0x3F92] =	sst s1;
	(tag) =	ssettag s2;
	_ =	strace s9  }
0x27: {  	s1 =	sld [smem:$0x3FA2]  }
0x28: {  	s2 =	sld [smem:$0x3FA3]  }
0x29: {  	s4 =	sld [smem:$0x3FA5]  }
0x2a: {  	p0 =	seq.s32 s5, $0x0;
	s5 =	sld [smem:$0x3FA6]  }
0x2b: {  	s6 =	sld [smem:$0x3FA7]  }
0x2c: {  	s7 =	sld [smem:$0x3FA8]  }
0x2d: {  	s3 =	simm.s32 $0x108;
	s8 =	sld [smem:$0x3FA9]  }
0x2e: {  	s3 =	simm.s32 @!p0 $0x1082;
	s9 =	sld [smem:$0x3FAA]  }
0x2f: {  	lr =	sadd.s32 s0, s3;
	s0 =	sld [smem:$0x3FA1]  }
0x30: {  	s3 =	sld [smem:$0x3FA4]  }
0x31: {  	[smem:$0x3FAD] =	sst s10  }
0x32: {  	s10 =	sld [smem:$0x3FAB];
	_ =	sdelay $0x3  }
0x33: {  	p0 =	seq.s32 s10, $0x1;
	s10 =	sld [smem:$0x3FAD];
	_ =	sdelay $0x3  }
0x34: {  	[smem:$0x3FAD] =	sst s10  }
0x35: {  	s10 =	sld [smem:$0x3FAC];
	_ =	sdelay $0x3  }
0x36: {  	p1 =	seq.s32 s10, $0x1;
	s10 =	sld [smem:$0x3FAD];
	_ =	sdelay $0x3  }
0x37: {  	[smem:$0x3FAD] =	sst s10  }
0x38: {  	s10 =	sld [smem:$0x3FAE]  }
0x39: {  	_ = 	snop;
	(pc) =	sbr.ind lr, $3  }
0x3a: {  	_ = 	snop  }
0x3b: {  	_ = 	snop  }
0x3c: {  	p2 =	seq.s32 s10, $0x1;
	s10 =	sld [smem:$0x3FAD]  }
0x3d: {  	_ =	shalt  }
0x3e: {  	_ =	shalt  }
0x3f: {  	_ =	shalt  }
0x40: {  	_ =	shalt  }
0x41: {  	_ =	shalt  }
0x42: {  	_ =	shalt  }
0x43: {  	_ =	shalt  }
0x44: {  	_ =	shalt  }
0x45: {  	_ =	shalt  }
0x46: {  	_ =	shalt  }
0x47: {  	_ =	shalt  }
0x48: {  	_ =	shalt  }
0x49: {  	_ =	shalt  }
0x4a: {  	_ =	shalt  }
0x4b: {  	_ =	shalt  }
0x4c: {  	_ =	shalt  }
0x4d: {  	_ =	shalt  }
0x4e: {  	_ =	shalt  }
0x4f: {  	_ =	shalt  }
0x50: {  	_ =	shalt  }
0x51: {  	_ =	shalt  }
0x52: {  	_ =	shalt  }
0x53: {  	_ =	shalt  }
0x54: {  	_ =	shalt  }
0x55: {  	_ =	shalt  }
0x56: {  	_ =	shalt  }
0x57: {  	_ =	shalt  }
0x58: {  	_ =	shalt  }
0x59: {  	_ =	shalt  }
0x5a: {  	_ =	shalt  }
0x5b: {  	_ =	shalt  }
0x5c: {  	_ =	shalt  }
0x5d: {  	_ =	shalt  }
0x5e: {  	_ =	shalt  }
0x5f: {  	_ =	shalt  }
0x60: {  	_ =	shalt  }
0x61: {  	_ =	shalt  }
0x62: {  	_ =	shalt  }
0x63: {  	_ =	shalt  }
0x64: {  	_ =	shalt  }
0x65: {  	_ =	shalt  }
0x66: {  	_ =	shalt  }
0x67: {  	_ =	shalt  }
0x68: {  	_ =	shalt  }
0x69: {  	_ =	shalt  }
0x6a: {  	_ =	shalt  }
0x6b: {  	_ =	shalt  }
0x6c: {  	_ =	shalt  }
0x6d: {  	_ =	shalt  }
0x6e: {  	_ =	shalt  }
0x6f: {  	_ =	shalt  }
0x70: {  	_ =	shalt  }
0x71: {  	_ =	shalt  }
0x72: {  	_ =	shalt  }
0x73: {  	_ =	shalt  }
0x74: {  	_ =	shalt  }
0x75: {  	_ =	shalt  }
0x76: {  	_ =	shalt  }
0x77: {  	_ =	shalt  }
0x78: {  	_ =	shalt  }
0x79: {  	_ =	shalt  }
0x7a: {  	_ =	shalt  }
0x7b: {  	_ =	shalt  }
0x7c: {  	_ =	shalt  }
0x7d: {  	_ =	shalt  }
0x7e: {  	_ =	shalt  }
0x7f: {  	_ =	shalt  }
0x80: {  	_ =	shalt  }
0x81: {  	_ =	shalt  }
0x82: {  	_ =	shalt  }
0x83: {  	_ =	shalt  }
0x84: {  	_ =	shalt  }
0x85: {  	_ =	shalt  }
0x86: {  	_ =	shalt  }
0x87: {  	_ =	shalt  }
.Lfunc_end0:
.L_simem_size_0:
called_computation.1_lowered:
.L_overlay_start_0:
0x88: {  	s2 =	sld [smem:$0x3FD9]  }
0x89: {  	s3 =	sld [smem:$0x3FFE];
	_ =	sdelay $0x1  }
0x8a: {  	s1 =	srdreg.scid  }
0x8b: {  	s0 =	sand.u32 $0x1, s1  }
0x8c: {  	s16 =	sshll.u32 s0, $0xA;
	s2 =	sadd.s32 s3, s2  }
0x8d: {  	s2 =	sadd.s32 s2, s16  }
0x8e: {  	[smem:$0x3FB9] =	sst s2  }
0x8f: {  	_ = 	snop  }
0x90: {  	(tm) =	ssettm $0x1  }
0x91: {  	s17 =	sld [smem:$0x3FFB];
	_ =	sdelay $0x3  }
0x92: {  	_ =	strace s17  }
0x93: {  	s2 =	sld [smem:$0x3FFC];
	_ =	sdelay $0x3  }
0x94: {  	_ =	strace s2  }
0x95: {  	s2 =	sld [smem:$0x3FFD];
	_ =	sdelay $0x3  }
0x96: {  	_ =	strace s2  }
0x97: {  	_ =	strace $0x8FFFFFFF  }
0x98: {  	s18 =	sld [smem:$0x3FDB];
	_ =	sdelay $0x1  }
0x99: {  	s19 =	simm.s32 $_scs_section_size  }
0x9a: {  	s4 =	simm.s32 $_size__tile_overlayer_lowered;
	s5 =	simm.s32 $_tile_overlayer_lowered  }
0x9b: {  	s22 =	simm.s32 $0x1BFF;
	s21 =	sshll.u32 s5, $0x1;
	s2 =	sadd.s32 s19, s18  }
0x9c: {  	s6 =	simm.s32 $0x0;
	s20 =	sshll.u32 s4, $0x1;
	s4 =	sadd.s32 s21, s2  }
0x9d: {  	[timem:s6], [sflag:s22] =	dma.local [hbm:s4], s20  }
0x9e: {  	_ =	swait.ge [sflag:s22], s20  }
0x9f: {  	s3 =	ssub.s32 $0x0, s20;
	[sflag:s22] =	ssyncset.done $0x0  }
0xa0: {  	[sflag:s22] =	ssyncadd.s32 s3;
	_ =	sdelay $0x1  }
0xa1: {  	s23 =	simm.s32 $0x1B8B  }
0xa2: {  	_ =	swait.ge [sflag:s23], $0x1  }
0xa3: {  	[sflag:s23] =	ssyncset.done $0x0  }
0xa4: {  	s25 =	simm.s32 $0x1B8E;
	s24 =	sld [smem:$0x3FFE];
	[sflag:s23] =	ssyncadd.s32 $0xFFFFFFFF  }
0xa5: {  	s26 =	simm.s32 $execute0_lowered;
	[smem:$0x3FD2] =	sst s25  }
0xa6: {  	s4 =	sshll.u32 s26, $0x1;
	_ =	strace $0x80000049;
	[dreg:$0x1] =	wrdreg $0xFFFFFFFF  }
0xa7: {  	s28 =	simm.s32 $_size_execute0_lowered;
	s2 =	sadd.s32 s2, s4;
	[dreg:$0x0] =	wrdreg $0x0  }
0xa8: {  	s4 =	sshll.u32 s28, $0x1;
	[dreg:$0x2] =	wrdreg s2  }
0xa9: {  	[dreg:$0x3] =	wrdreg s4  }
0xaa: {  	[dreg:$0x4] =	wrdreg $0xC0  }
0xab: {  	_ =	task [dreg:s6], $0x5FFFF  }
0xac: {  	[dreg:$0x1] =	wrdreg $0xFFFFFFFF  }
0xad: {  	[dreg:$0x0] =	wrdreg $0x60  }
0xae: {  	[dreg:$0x2] =	wrdreg s24  }
0xaf: {  	[dreg:$0x3] =	wrdreg $0xA8000  }
0xb0: {  	[dreg:$0x4] =	wrdreg $0x9  }
0xb1: {  	_ =	task.clear_ibuf [dreg:s6], $0x5FFFF;
	_ =	strace $0x90000049  }
0xb2: {  	s29 =	simm.s32 $0x9;
	_ =	strace $0x8000004B  }
0xb3: {  	_ =	swait.ge [sflag:s29], $0x1  }
0xb4: {  	[sflag:s29] =	ssyncadd.s32 $0xFFFFFFFF  }
0xb5: {  	_ =	strace $0x9000004B  }
0xb6: {  	_ =	sfence  }
0xb7: {  	s30 =	sld [smem:$0x0];
	_ =	sdelay $0x2  }
0xb8: {  	s31 =	sshll.u32 s1, $0xD;
	s1 =	sshrl.u32 s1, $0x2  }
0xb9: {  	s3 =	sand.u32 $0x4000, s31;
	s1 =	sadd.s32 s1, s30  }
0xba: {  	s0 =	sor.u32 s3, s0;
	s1 =	sshll.u32 s1, $0x11  }
0xbb: {  	s0 =	sor.u32 s1, s0  }
0xbc: {  	s0 =	sadd.s32 $0x8F2B, s0  }
0xbd: {  	[sflag:s0] =	ssyncadd.remote.s32 $0x1  }
0xbe: {  	_ =	sfence.sel $0xFFFF  }
0xbf: {  	[dreg:$0x0] =	wrdreg $0xFFFFFFFF;
	(pc) =	sbr.abs _section_cstart, $3  }
0xc0: {  	[dreg:$0x1] =	wrdreg $0xFFFFFFFF  }
0xc1: {  	_ =	task.clear_ibuf [dreg:s6], $0x2FFFF;
	_ =	strace $0x9FFFFFFF  }
0xc2: {  	(tm) =	ssettm $0x7FFFFFFF  }
0xc3: {  	_ =	shalt  }
tec
execute0_lowered:
.L_overlay_start_1:
0x0: {  	(tag) =	ssettag $0x1  }
0x1: {  	s6 =	rddreg [dreg:$0x0]  }
0x2: {  	s1 =	rddreg [dreg:$0x1]  }
0x3: {  	s0 =	rddreg [dreg:$0x2]  }
0x4: {  	s3 =	simm.s32 $0x0;
	s2 =	srdreg.scid;
	s13 =	simm.s32 $0x4000  }
0x5: {  	s14 =	simm.s32 $0x50;
	s15 =	simm.s32 $0x8000;
	s16 =	simm.s32 $0x1  }
0x6: {  	s17 =	simm.s32 $0x0;
	[smem:$0x7FF] =	sst s3;
	s7 =	sand.u32 $0x1, s2  }
0x7: {  	s2 =	stileid.u32;
	s4 =	sadd.s32 $0x16400, s6;
	s5 =	smul.u32 $0x140000, s7  }
0x8: {  	s8 =	sshll.u32 s2, $0xC;
	s9 =	sshll.u32 s7, $0xB;
	s10 =	smul.u32 $0x14000, s2  }
0x9: {  	_ =	strace $0x8000004A;
	s29 =	smul.u32 $0x50000, s2;
	s7 =	ssub.s32 $0x2, s7  }
0xa: {  	s31 =	sshll.u32 s2, $0x6;
	s8 =	sor.u32 s9, s8;
	s30 =	sshrl.u32 s7, $0x1  }
0xb: {  	s8 =	sadd.s32 s8, s6;
	s28 =	sadd.s32 s10, s5;
	s5 =	sadd.s32 $0x13C00, s6  }
0xc: {  	s10 =	sshrl.u32 s29, $0x2;
	s11 =	ssub.s32 s7, s30;
	s9 =	sshrl.u32 s28, $0x3  }
0xd: {  	s12 =	sadd.s32 s10, s1;
	s7 =	sadd.s32 $0x66400, s8;
	s8 =	sadd.s32 $0x3C00, s8  }
0xe: {  	s10 =	smax.u32 s11, $0x1;
	s9 =	sadd.s32 s9, s6;
	s6 =	sor.u32 $0x1C02, s31  }
0xf: {  	s11 =	sshrl.u32 s12, $0x3;
	s12 =	simm.s32 $0x2;
	s9 =	sadd.s32 $0x76400, s9  }
.LBB2_1:
0x10: {  	[spmem:s11], [sflag:s6] =	dma.local [hbm:s5], $0x2800  }
0x11: {  	_ =	swait.ge [sflag:s12], $0x2800  }
0x12: {  	[sflag:s12] =	ssyncset.done $0x0  }
0x13: {  	[sflag:s12] =	ssyncadd.s32 $0xFFFFD800  }
0x14: {  	[tilespmem:s3], [sflag:$0x2] =	stream.linear.gather [hbm4b:s7+s3], $0x3E80, $0x38;
	[tilespmem:$0x1E800] =	vst v63  }
0x15: {  	_ =	swait.ge [sflag:s12], $0x3E80  }
0x16: {  	[sflag:s12] =	ssyncset.done $0x0  }
0x17: {  	[sflag:s12] =	ssyncadd.s32 $0xFFFFC180  }
0x18: {  	[tilespmem:s13], [sflag:$0x2] =	stream.linear.gather [hbm4b:s8+s3], $0x3E80, $0x38;
	[tilespmem:$0x1E800] =	vst v63  }
0x19: {  	_ =	swait.ge [sflag:s12], $0x3E80  }
0x1a: {  	[sflag:s12] =	ssyncset.done $0x0  }
0x1b: {  	[sflag:s12] =	ssyncadd.s32 $0xFFFFC180  }
0x1c: {  	s18 =	simm.s32 $0x0;
	[bflag:$0x0] =	sbarrier.arrive $0xFFFF  }
0x1d: {  	[tilespmem:s15], [sflag:$0x1] =	stream.indirect.gather [hbm4b:s4+s14], $0x80, s18, s14, $0xb8;
	[tilespmem:$0x1E800] =	vst v63  }
0x1e: {  	_ =	swait.ge [sflag:s16], $0x2800  }
0x1f: {  	[sflag:s16] =	ssyncset.done $0x0  }
0x20: {  	s31 =	simm.s32 $0x4000;
	[sflag:s16] =	ssyncadd.s32 $0xFFFFD800  }
0x21: {  	[spmem:s1] =	stream.indirect.scatter.add.f32 [tilespmem:s15], [sflag:$0x2], $0x80, s31, s14, $0xb8;
	[tilespmem:$0x1E800] =	vst v63  }
0x22: {  	_ =	swait.ge [sflag:s12], $0x2800  }
0x23: {  	s19 =	simm.s32 $0x400;
	s18 =	simm.s32 $0x200;
	[sflag:s12] =	ssyncset.done $0x0  }
.LBB2_2:
0x24: {  	s20 =	sshra.s32 s18, $0x2  }
0x25: {  	[sflag:s12] =	ssyncadd.s32 $0xFFFFD800;
	s18 =	smov.u32 s19;
	s21 =	sadd.s32 $0x200, s19  }
0x26: {  	[tilespmem:s15], [sflag:$0x1] =	stream.indirect.gather [hbm4b:s4+s14], $0x80, s20, s14, $0xb8;
	[tilespmem:$0x1E800] =	vst v63  }
0x27: {  	p0 =	sne.s32 s19, $0xF800;
	_ =	swait.ge [sflag:s16], $0x2800  }
.Ltmp0:
0x28: {  	[sflag:s16] =	ssyncset.done $0x0;
	(pc) =	sbr.rel @p0 .LBB2_2-.Ltmp0, $4  }
0x29: {  	s19 =	sadd.s32 $0x4000, s20;
	[sflag:s16] =	ssyncadd.s32 $0xFFFFD800  }
0x2a: {  	[spmem:s1] =	stream.indirect.scatter.add.f32 [tilespmem:s15], [sflag:$0x2], $0x80, s19, s14, $0xb8;
	[tilespmem:$0x1E800] =	vst v63  }
0x2b: {  	_ =	swait.ge [sflag:s12], $0x2800  }
0x2c: {  	s19 =	smov.u32 s21;
	[sflag:s12] =	ssyncset.done $0x0  }
0x2d: {  	s18 =	sshra.s32 s18, $0x2;
	[sflag:s12] =	ssyncadd.s32 $0xFFFFD800  }
0x2e: {  	[tilespmem:s15], [sflag:$0x1] =	stream.indirect.gather [hbm4b:s4+s14], $0x80, s18, s14, $0xb8;
	[tilespmem:$0x1E800] =	vst v63  }
0x2f: {  	_ =	swait.ge [sflag:s16], $0x2800  }
0x30: {  	[sflag:s16] =	ssyncset.done $0x0  }
0x31: {  	s18 =	sadd.s32 $0x4000, s18;
	[sflag:s16] =	ssyncadd.s32 $0xFFFFD800  }
0x32: {  	[spmem:s1] =	stream.indirect.scatter.add.f32 [tilespmem:s15], [sflag:$0x2], $0x80, s18, s14, $0xb8;
	[tilespmem:$0x1E800] =	vst v63  }
0x33: {  	_ =	swait.ge [sflag:s12], $0x2800  }
0x34: {  	s17 =	sadd.s32 $0x1, s17;
	[sflag:s12] =	ssyncset.done $0x0  }
0x35: {  	p0 =	sne.s32 s17, s10;
	[sflag:s12] =	ssyncadd.s32 $0xFFFFD800  }
.Ltmp1:
0x36: {  	[bflag:$0x0] =	sbarrier.arrive $0xFFFF;
	(pc) =	sbr.rel @p0 .LBB2_1-.Ltmp1, $4  }
0x37: {  	[hbm:s9], [sflag:s6] =	dma.local [spmem:s11], $0x2800  }
0x38: {  	_ =	swait.ge [sflag:s12], $0x2800  }
0x39: {  	[sflag:s12] =	ssyncset.done $0x0  }
0x3a: {  	[sflag:s12] =	ssyncadd.s32 $0xFFFFD800  }
0x3b: {  	_ =	sfence.sel $0x180000  }
0x3c: {  	[bflag:$0x0] =	sbarrier.arrive $0xFFFF  }
0x3d: {  	p0 =	sne.s32 s2, $0x0;
	_ =	strace $0x9000004A  }
0x3e: {  	s0 =	sadd.s32 @!p0 $0x100000, s0;
	[bflag:$0x2] =	sbarrier.arrive $0xFFFF  }
0x3f: {  	[sflag:s0] =	ssyncadd.tile.s32 @!p0 $0x1;
	_ =	shalt  }
.Lfunc_end2:
_tile_overlayer_lowered:
.L_overlay_start_2:
0x40: {  	(tag) =	ssettag $0x2  }
0x41: {  	s0 =	rddreg [dreg:$0x0];
	s2 =	stileid.u32  }
0x42: {  	s1 =	rddreg [dreg:$0x1];
	p0 =	sne.s32 s2, $0x0  }
0x43: {  	s3 =	rddreg [dreg:$0x2];
	[bflag:$0x3] =	sbarrier.arrive $0xFFFF;
	s2 =	simm.s32 @!p0 $0x1C02  }
0x44: {  	[timem:s3], [sflag:s2] =	dma.local @!p0 [hbm:s0], s1  }
0x45: {  	s0 =	simm.s32 @!p0 $0x2  }
0x46: {  	_ =	swait.ge @!p0 [sflag:s0], s1  }
0x47: {  	s1 =	ssub.s32 @!p0 $0x0, s1;
	[sflag:s0] =	ssyncset.done @!p0 $0x0  }
0x48: {  	[sflag:s0] =	ssyncadd.s32 @!p0 s1  }
0x49: {  	[bflag:$0x3] =	sbarrier.arrive $0xFFFF  }
0x4a: {  	_ =	shalt  }

// kernel: kernel.18.cloned.1.call-start
scs
__scs_entry_jumppad:
0x0: {  	(pc) =	sbr.rel $0x88, $3  }
0x1: {  	(tag) =	ssettag $0x0;
	lr =	simm.s32 $0x1  }
0x2: {  	[smem:$0x3F92] =	sst lr;
	_ =	strace $0xD0000000  }
0x3: {  	_ = 	snop  }
0x4: {  	_ = 	snop  }
0x5: {  	_ = 	snop  }
0x6: {  	_ = 	snop  }
0x7: {  	_ = 	snop  }
__scs_overlays_trampoline_lowered:
0x8: {  	[smem:$0x3FA1] =	sst s0  }
0x9: {  	[smem:$0x3FA2] =	sst s1  }
0xa: {  	[smem:$0x3FA3] =	sst s2  }
0xb: {  	[smem:$0x3FA4] =	sst s3  }
0xc: {  	[smem:$0x3FA5] =	sst s4  }
0xd: {  	[smem:$0x3FA6] =	sst s5  }
0xe: {  	[smem:$0x3FA7] =	sst s6  }
0xf: {  	[smem:$0x3FA8] =	sst s7  }
0x10: {  	[smem:$0x3FA9] =	sst s8  }
0x11: {  	[smem:$0x3FAA] =	sst s9;
	s0 =	simm.s32 @!p0 $0x0  }
0x12: {  	s1 =	sld [smem:$0x3F90];
	s0 =	simm.s32 @p0 $0x1  }
0x13: {  	[smem:$0x3FAB] =	sst s0;
	s0 =	simm.s32 @!p1 $0x0  }
0x14: {  	s2 =	sld [smem:$0x3F8F];
	s0 =	simm.s32 @p1 $0x1  }
0x15: {  	[smem:$0x3FAC] =	sst s0;
	s0 =	simm.s32 @!p2 $0x0  }
0x16: {  	s3 =	sld [smem:$0x3FDB];
	s0 =	simm.s32 @p2 $0x1  }
0x17: {  	s4 =	simm.s32 $0x1BF5;
	[smem:$0x3FAE] =	sst s0  }
0x18: {  	s0 =	sld [smem:$0x3F91];
	_ =	swait.ge [sflag:s4], $0x0  }
0x19: {  	s7 =	sld [smem:$0x3F92]  }
0x1a: {  	s8 =	sadd.s32 $0xFFFFE003, lr  }
0x1b: {  	s9 =	sadd.s32 $0xFFFFFEF7, lr;
	s5 =	simm.s32 $0xFFFFFFFF;
	p2 =	slt.u32 s8, $0xFFFFF086  }
0x1c: {  	p1 =	slt.u32 s9, $0xF7A;
	s5 =	simm.s32 @!p2 $0x0  }
0x1d: {  	s5 =	simm.s32 @p1 $0x1;
	p0 =	seq.s32 s7, s2  }
0x1e: {  	s7 =	smul.u32 @!p0 $0xF7A, s2;
	p2 =	seq.s32 @!p0 s5, $0x0  }
0x1f: {  	s9 =	smul.u32 $0xF7A, s1;
	s8 =	simm.s32 @!p0 $0x1BF5;
	p2 =	por !p2, p0  }
0x20: {  	[sflag:s8] =	ssyncset.s32 @!p0 $0xFFFFF086;
	s6 =	sadd.s32 @!p0 s3, s7;
	s7 =	simm.s32 @!p0 $0x108  }
0x21: {  	s3 =	sadd.s32 s3, s9;
	s6 =	sadd.s32 @!p0 $0x88, s6;
	s7 =	simm.s32 @p2 $0x1082  }
0x22: {  	[simem:s7], [sflag:s8] =	dma.local @!p0 [hbm:s6], $0xF7A  }
0x23: {  	s9 =	sor.u32 $0xD0000000, s2;
	s6 =	simm.s32 $0x108;
	_ =	swait.ge @!p0 [sflag:s8], $0x0  }
0x24: {  	s3 =	sadd.s32 $0x88, s3;
	s6 =	simm.s32 @!p1 $0x1082;
	[sflag:s4] =	ssyncset.s32 $0xFFFFF086  }
0x25: {  	[simem:s6], [sflag:s4] =	dma.local [hbm:s3], $0xF7A  }
0x26: {  	[smem:$0x3F92] =	sst s1;
	(tag) =	ssettag s2;
	_ =	strace s9  }
0x27: {  	s1 =	sld [smem:$0x3FA2]  }
0x28: {  	s2 =	sld [smem:$0x3FA3]  }
0x29: {  	s4 =	sld [smem:$0x3FA5]  }
0x2a: {  	p0 =	seq.s32 s5, $0x0;
	s5 =	sld [smem:$0x3FA6]  }
0x2b: {  	s6 =	sld [smem:$0x3FA7]  }
0x2c: {  	s7 =	sld [smem:$0x3FA8]  }
0x2d: {  	s3 =	simm.s32 $0x108;
	s8 =	sld [smem:$0x3FA9]  }
0x2e: {  	s3 =	simm.s32 @!p0 $0x1082;
	s9 =	sld [smem:$0x3FAA]  }
0x2f: {  	lr =	sadd.s32 s0, s3;
	s0 =	sld [smem:$0x3FA1]  }
0x30: {  	s3 =	sld [smem:$0x3FA4]  }
0x31: {  	[smem:$0x3FAD] =	sst s10  }
0x32: {  	s10 =	sld [smem:$0x3FAB];
	_ =	sdelay $0x3  }
0x33: {  	p0 =	seq.s32 s10, $0x1;
	s10 =	sld [smem:$0x3FAD];
	_ =	sdelay $0x3  }
0x34: {  	[smem:$0x3FAD] =	sst s10  }
0x35: {  	s10 =	sld [smem:$0x3FAC];
	_ =	sdelay $0x3  }
0x36: {  	p1 =	seq.s32 s10, $0x1;
	s10 =	sld [smem:$0x3FAD];
	_ =	sdelay $0x3  }
0x37: {  	[smem:$0x3FAD] =	sst s10  }
0x38: {  	s10 =	sld [smem:$0x3FAE]  }
0x39: {  	_ = 	snop;
	(pc) =	sbr.ind lr, $3  }
0x3a: {  	_ = 	snop  }
0x3b: {  	_ = 	snop  }
0x3c: {  	p2 =	seq.s32 s10, $0x1;
	s10 =	sld [smem:$0x3FAD]  }
0x3d: {  	_ =	shalt  }
0x3e: {  	_ =	shalt  }
0x3f: {  	_ =	shalt  }
0x40: {  	_ =	shalt  }
0x41: {  	_ =	shalt  }
0x42: {  	_ =	shalt  }
0x43: {  	_ =	shalt  }
0x44: {  	_ =	shalt  }
0x45: {  	_ =	shalt  }
0x46: {  	_ =	shalt  }
0x47: {  	_ =	shalt  }
0x48: {  	_ =	shalt  }
0x49: {  	_ =	shalt  }
0x4a: {  	_ =	shalt  }
0x4b: {  	_ =	shalt  }
0x4c: {  	_ =	shalt  }
0x4d: {  	_ =	shalt  }
0x4e: {  	_ =	shalt  }
0x4f: {  	_ =	shalt  }
0x50: {  	_ =	shalt  }
0x51: {  	_ =	shalt  }
0x52: {  	_ =	shalt  }
0x53: {  	_ =	shalt  }
0x54: {  	_ =	shalt  }
0x55: {  	_ =	shalt  }
0x56: {  	_ =	shalt  }
0x57: {  	_ =	shalt  }
0x58: {  	_ =	shalt  }
0x59: {  	_ =	shalt  }
0x5a: {  	_ =	shalt  }
0x5b: {  	_ =	shalt  }
0x5c: {  	_ =	shalt  }
0x5d: {  	_ =	shalt  }
0x5e: {  	_ =	shalt  }
0x5f: {  	_ =	shalt  }
0x60: {  	_ =	shalt  }
0x61: {  	_ =	shalt  }
0x62: {  	_ =	shalt  }
0x63: {  	_ =	shalt  }
0x64: {  	_ =	shalt  }
0x65: {  	_ =	shalt  }
0x66: {  	_ =	shalt  }
0x67: {  	_ =	shalt  }
0x68: {  	_ =	shalt  }
0x69: {  	_ =	shalt  }
0x6a: {  	_ =	shalt  }
0x6b: {  	_ =	shalt  }
0x6c: {  	_ =	shalt  }
0x6d: {  	_ =	shalt  }
0x6e: {  	_ =	shalt  }
0x6f: {  	_ =	shalt  }
0x70: {  	_ =	shalt  }
0x71: {  	_ =	shalt  }
0x72: {  	_ =	shalt  }
0x73: {  	_ =	shalt  }
0x74: {  	_ =	shalt  }
0x75: {  	_ =	shalt  }
0x76: {  	_ =	shalt  }
0x77: {  	_ =	shalt  }
0x78: {  	_ =	shalt  }
0x79: {  	_ =	shalt  }
0x7a: {  	_ =	shalt  }
0x7b: {  	_ =	shalt  }
0x7c: {  	_ =	shalt  }
0x7d: {  	_ =	shalt  }
0x7e: {  	_ =	shalt  }
0x7f: {  	_ =	shalt  }
0x80: {  	_ =	shalt  }
0x81: {  	_ =	shalt  }
0x82: {  	_ =	shalt  }
0x83: {  	_ =	shalt  }
0x84: {  	_ =	shalt  }
0x85: {  	_ =	shalt  }
0x86: {  	_ =	shalt  }
0x87: {  	_ =	shalt  }
.Lfunc_end0:
.L_simem_size_0:
called_computation.2_lowered:
.L_overlay_start_0:
0x88: {  	s2 =	sld [smem:$0x3FD9]  }
0x89: {  	s3 =	sld [smem:$0x3FFE];
	_ =	sdelay $0x1  }
0x8a: {  	s1 =	srdreg.scid  }
0x8b: {  	s0 =	sand.u32 $0x1, s1  }
0x8c: {  	s16 =	sshll.u32 s0, $0xA;
	s2 =	sadd.s32 s3, s2  }
0x8d: {  	s2 =	sadd.s32 s2, s16  }
0x8e: {  	[smem:$0x3FB9] =	sst s2  }
0x8f: {  	_ = 	snop  }
0x90: {  	(tm) =	ssettm $0x1  }
0x91: {  	s17 =	sld [smem:$0x3FFB];
	_ =	sdelay $0x3  }
0x92: {  	_ =	strace s17  }
0x93: {  	s2 =	sld [smem:$0x3FFC];
	_ =	sdelay $0x3  }
0x94: {  	_ =	strace s2  }
0x95: {  	s2 =	sld [smem:$0x3FFD];
	_ =	sdelay $0x3  }
0x96: {  	_ =	strace s2  }
0x97: {  	_ =	strace $0x8FFFFFFF  }
0x98: {  	s18 =	sld [smem:$0x3FDB];
	_ =	sdelay $0x1  }
0x99: {  	s19 =	simm.s32 $_scs_section_size  }
0x9a: {  	s4 =	simm.s32 $_size__tile_overlayer_lowered;
	s5 =	simm.s32 $_tile_overlayer_lowered  }
0x9b: {  	s22 =	simm.s32 $0x1BFF;
	s21 =	sshll.u32 s5, $0x1;
	s2 =	sadd.s32 s19, s18  }
0x9c: {  	s6 =	simm.s32 $0x0;
	s20 =	sshll.u32 s4, $0x1;
	s4 =	sadd.s32 s21, s2  }
0x9d: {  	[timem:s6], [sflag:s22] =	dma.local [hbm:s4], s20  }
0x9e: {  	_ =	swait.ge [sflag:s22], s20  }
0x9f: {  	s3 =	ssub.s32 $0x0, s20;
	[sflag:s22] =	ssyncset.done $0x0  }
0xa0: {  	[sflag:s22] =	ssyncadd.s32 s3;
	_ =	sdelay $0x1  }
0xa1: {  	s23 =	simm.s32 $0x1B8B  }
0xa2: {  	_ =	swait.ge [sflag:s23], $0x1  }
0xa3: {  	[sflag:s23] =	ssyncset.done $0x0  }
0xa4: {  	s25 =	simm.s32 $0x1B8E;
	s24 =	sld [smem:$0x3FFE];
	[sflag:s23] =	ssyncadd.s32 $0xFFFFFFFF  }
0xa5: {  	s26 =	simm.s32 $execute0_lowered;
	[smem:$0x3FD2] =	sst s25  }
0xa6: {  	s4 =	sshll.u32 s26, $0x1;
	_ =	strace $0x8000004C;
	[dreg:$0x1] =	wrdreg $0xFFFFFFFF  }
0xa7: {  	s28 =	simm.s32 $_size_execute0_lowered;
	s2 =	sadd.s32 s2, s4;
	[dreg:$0x0] =	wrdreg $0x0  }
0xa8: {  	s4 =	sshll.u32 s28, $0x1;
	[dreg:$0x2] =	wrdreg s2  }
0xa9: {  	[dreg:$0x3] =	wrdreg s4  }
0xaa: {  	[dreg:$0x4] =	wrdreg $0xC0  }
0xab: {  	_ =	task [dreg:s6], $0x5FFFF  }
0xac: {  	[dreg:$0x1] =	wrdreg $0xFFFFFFFF  }
0xad: {  	[dreg:$0x0] =	wrdreg $0x60  }
0xae: {  	[dreg:$0x2] =	wrdreg s24  }
0xaf: {  	[dreg:$0x3] =	wrdreg $0xA8000  }
0xb0: {  	[dreg:$0x4] =	wrdreg $0x9  }
0xb1: {  	_ =	task.clear_ibuf [dreg:s6], $0x5FFFF;
	_ =	strace $0x9000004C  }
0xb2: {  	s29 =	simm.s32 $0x9;
	_ =	strace $0x8000004E  }
0xb3: {  	_ =	swait.ge [sflag:s29], $0x1  }
0xb4: {  	[sflag:s29] =	ssyncadd.s32 $0xFFFFFFFF  }
0xb5: {  	_ =	strace $0x9000004E  }
0xb6: {  	_ =	sfence  }
0xb7: {  	s30 =	sld [smem:$0x0];
	_ =	sdelay $0x2  }
0xb8: {  	s31 =	sshll.u32 s1, $0xD;
	s1 =	sshrl.u32 s1, $0x2  }
0xb9: {  	s3 =	sand.u32 $0x4000, s31;
	s1 =	sadd.s32 s1, s30  }
0xba: {  	s0 =	sor.u32 s3, s0;
	s1 =	sshll.u32 s1, $0x11  }
0xbb: {  	s0 =	sor.u32 s1, s0  }
0xbc: {  	s0 =	sadd.s32 $0x8F2B, s0  }
0xbd: {  	[sflag:s0] =	ssyncadd.remote.s32 $0x1  }
0xbe: {  	_ =	sfence.sel $0xFFFF  }
0xbf: {  	[dreg:$0x0] =	wrdreg $0xFFFFFFFF;
	(pc) =	sbr.abs _section_cstart, $3  }
0xc0: {  	[dreg:$0x1] =	wrdreg $0xFFFFFFFF  }
0xc1: {  	_ =	task.clear_ibuf [dreg:s6], $0x2FFFF;
	_ =	strace $0x9FFFFFFF  }
0xc2: {  	(tm) =	ssettm $0x7FFFFFFF  }
0xc3: {  	_ =	shalt  }
tec
execute0_lowered:
.L_overlay_start_1:
0x0: {  	(tag) =	ssettag $0x1  }
0x1: {  	s6 =	rddreg [dreg:$0x0]  }
0x2: {  	s1 =	rddreg [dreg:$0x1]  }
0x3: {  	s0 =	rddreg [dreg:$0x2]  }
0x4: {  	s3 =	simm.s32 $0x0;
	s2 =	srdreg.scid;
	s13 =	simm.s32 $0x4000  }
0x5: {  	s14 =	simm.s32 $0x50;
	s15 =	simm.s32 $0x8000;
	s16 =	simm.s32 $0x1  }
0x6: {  	s17 =	simm.s32 $0x0;
	[smem:$0x7FF] =	sst s3;
	s7 =	sand.u32 $0x1, s2  }
0x7: {  	s2 =	stileid.u32;
	s4 =	sadd.s32 $0x16400, s6;
	s5 =	smul.u32 $0x140000, s7  }
0x8: {  	s8 =	sshll.u32 s2, $0xC;
	s9 =	sshll.u32 s7, $0xB;
	s10 =	smul.u32 $0x14000, s2  }
0x9: {  	_ =	strace $0x8000004D;
	s29 =	smul.u32 $0x50000, s2;
	s7 =	ssub.s32 $0x2, s7  }
0xa: {  	s31 =	sshll.u32 s2, $0x6;
	s8 =	sor.u32 s9, s8;
	s30 =	sshrl.u32 s7, $0x1  }
0xb: {  	s8 =	sadd.s32 s8, s6;
	s28 =	sadd.s32 s10, s5;
	s5 =	sadd.s32 $0x13C00, s6  }
0xc: {  	s10 =	sshrl.u32 s29, $0x2;
	s11 =	ssub.s32 s7, s30;
	s9 =	sshrl.u32 s28, $0x3  }
0xd: {  	s12 =	sadd.s32 s10, s1;
	s7 =	sadd.s32 $0x66400, s8;
	s8 =	sadd.s32 $0x3C00, s8  }
0xe: {  	s10 =	smax.u32 s11, $0x1;
	s9 =	sadd.s32 s9, s6;
	s6 =	sor.u32 $0x1C02, s31  }
0xf: {  	s11 =	sshrl.u32 s12, $0x3;
	s12 =	simm.s32 $0x2;
	s9 =	sadd.s32 $0x76400, s9  }
.LBB2_1:
0x10: {  	[spmem:s11], [sflag:s6] =	dma.local [hbm:s5], $0x2800  }
0x11: {  	_ =	swait.ge [sflag:s12], $0x2800  }
0x12: {  	[sflag:s12] =	ssyncset.done $0x0  }
0x13: {  	[sflag:s12] =	ssyncadd.s32 $0xFFFFD800  }
0x14: {  	[tilespmem:s3], [sflag:$0x2] =	stream.linear.gather [hbm4b:s7+s3], $0x3E80, $0x38;
	[tilespmem:$0x1E800] =	vst v63  }
0x15: {  	_ =	swait.ge [sflag:s12], $0x3E80  }
0x16: {  	[sflag:s12] =	ssyncset.done $0x0  }
0x17: {  	[sflag:s12] =	ssyncadd.s32 $0xFFFFC180  }
0x18: {  	[tilespmem:s13], [sflag:$0x2] =	stream.linear.gather [hbm4b:s8+s3], $0x3E80, $0x38;
	[tilespmem:$0x1E800] =	vst v63  }
0x19: {  	_ =	swait.ge [sflag:s12], $0x3E80  }
0x1a: {  	[sflag:s12] =	ssyncset.done $0x0  }
0x1b: {  	[sflag:s12] =	ssyncadd.s32 $0xFFFFC180  }
0x1c: {  	s18 =	simm.s32 $0x0;
	[bflag:$0x0] =	sbarrier.arrive $0xFFFF  }
0x1d: {  	[tilespmem:s15], [sflag:$0x1] =	stream.indirect.gather [hbm4b:s4+s14], $0x80, s18, s14, $0xb8;
	[tilespmem:$0x1E800] =	vst v63  }
0x1e: {  	_ =	swait.ge [sflag:s16], $0x2800  }
0x1f: {  	[sflag:s16] =	ssyncset.done $0x0  }
0x20: {  	s31 =	simm.s32 $0x4000;
	[sflag:s16] =	ssyncadd.s32 $0xFFFFD800  }
0x21: {  	[spmem:s1] =	stream.indirect.scatter.add.f32 [tilespmem:s15], [sflag:$0x2], $0x80, s31, s14, $0xb8;
	[tilespmem:$0x1E800] =	vst v63  }
0x22: {  	_ =	swait.ge [sflag:s12], $0x2800  }
0x23: {  	s19 =	simm.s32 $0x400;
	s18 =	simm.s32 $0x200;
	[sflag:s12] =	ssyncset.done $0x0  }
.LBB2_2:
0x24: {  	s20 =	sshra.s32 s18, $0x2  }
0x25: {  	[sflag:s12] =	ssyncadd.s32 $0xFFFFD800;
	s18 =	smov.u32 s19;
	s21 =	sadd.s32 $0x200, s19  }
0x26: {  	[tilespmem:s15], [sflag:$0x1] =	stream.indirect.gather [hbm4b:s4+s14], $0x80, s20, s14, $0xb8;
	[tilespmem:$0x1E800] =	vst v63  }
0x27: {  	p0 =	sne.s32 s19, $0xF800;
	_ =	swait.ge [sflag:s16], $0x2800  }
.Ltmp0:
0x28: {  	[sflag:s16] =	ssyncset.done $0x0;
	(pc) =	sbr.rel @p0 .LBB2_2-.Ltmp0, $4  }
0x29: {  	s19 =	sadd.s32 $0x4000, s20;
	[sflag:s16] =	ssyncadd.s32 $0xFFFFD800  }
0x2a: {  	[spmem:s1] =	stream.indirect.scatter.add.f32 [tilespmem:s15], [sflag:$0x2], $0x80, s19, s14, $0xb8;
	[tilespmem:$0x1E800] =	vst v63  }
0x2b: {  	_ =	swait.ge [sflag:s12], $0x2800  }
0x2c: {  	s19 =	smov.u32 s21;
	[sflag:s12] =	ssyncset.done $0x0  }
0x2d: {  	s18 =	sshra.s32 s18, $0x2;
	[sflag:s12] =	ssyncadd.s32 $0xFFFFD800  }
0x2e: {  	[tilespmem:s15], [sflag:$0x1] =	stream.indirect.gather [hbm4b:s4+s14], $0x80, s18, s14, $0xb8;
	[tilespmem:$0x1E800] =	vst v63  }
0x2f: {  	_ =	swait.ge [sflag:s16], $0x2800  }
0x30: {  	[sflag:s16] =	ssyncset.done $0x0  }
0x31: {  	s18 =	sadd.s32 $0x4000, s18;
	[sflag:s16] =	ssyncadd.s32 $0xFFFFD800  }
0x32: {  	[spmem:s1] =	stream.indirect.scatter.add.f32 [tilespmem:s15], [sflag:$0x2], $0x80, s18, s14, $0xb8;
	[tilespmem:$0x1E800] =	vst v63  }
0x33: {  	_ =	swait.ge [sflag:s12], $0x2800  }
0x34: {  	s17 =	sadd.s32 $0x1, s17;
	[sflag:s12] =	ssyncset.done $0x0  }
0x35: {  	p0 =	sne.s32 s17, s10;
	[sflag:s12] =	ssyncadd.s32 $0xFFFFD800  }
.Ltmp1:
0x36: {  	[bflag:$0x0] =	sbarrier.arrive $0xFFFF;
	(pc) =	sbr.rel @p0 .LBB2_1-.Ltmp1, $4  }
0x37: {  	[hbm:s9], [sflag:s6] =	dma.local [spmem:s11], $0x2800  }
0x38: {  	_ =	swait.ge [sflag:s12], $0x2800  }
0x39: {  	[sflag:s12] =	ssyncset.done $0x0  }
0x3a: {  	[sflag:s12] =	ssyncadd.s32 $0xFFFFD800  }
0x3b: {  	_ =	sfence.sel $0x180000  }
0x3c: {  	[bflag:$0x0] =	sbarrier.arrive $0xFFFF  }
0x3d: {  	p0 =	sne.s32 s2, $0x0;
	_ =	strace $0x9000004D  }
0x3e: {  	s0 =	sadd.s32 @!p0 $0x100000, s0;
	[bflag:$0x2] =	sbarrier.arrive $0xFFFF  }
0x3f: {  	[sflag:s0] =	ssyncadd.tile.s32 @!p0 $0x1;
	_ =	shalt  }
.Lfunc_end2:
_tile_overlayer_lowered:
.L_overlay_start_2:
0x40: {  	(tag) =	ssettag $0x2  }
0x41: {  	s0 =	rddreg [dreg:$0x0];
	s2 =	stileid.u32  }
0x42: {  	s1 =	rddreg [dreg:$0x1];
	p0 =	sne.s32 s2, $0x0  }
0x43: {  	s3 =	rddreg [dreg:$0x2];
	[bflag:$0x3] =	sbarrier.arrive $0xFFFF;
	s2 =	simm.s32 @!p0 $0x1C02  }
0x44: {  	[timem:s3], [sflag:s2] =	dma.local @!p0 [hbm:s0], s1  }
0x45: {  	s0 =	simm.s32 @!p0 $0x2  }
0x46: {  	_ =	swait.ge @!p0 [sflag:s0], s1  }
0x47: {  	s1 =	ssub.s32 @!p0 $0x0, s1;
	[sflag:s0] =	ssyncset.done @!p0 $0x0  }
0x48: {  	[sflag:s0] =	ssyncadd.s32 @!p0 s1  }
0x49: {  	[bflag:$0x3] =	sbarrier.arrive $0xFFFF  }
0x4a: {  	_ =	shalt  }

// kernel: kernel.21.cloned.1.call-start
scs
__scs_entry_jumppad:
0x0: {  	(pc) =	sbr.rel $0x88, $3  }
0x1: {  	(tag) =	ssettag $0x0;
	lr =	simm.s32 $0x1  }
0x2: {  	[smem:$0x3F92] =	sst lr;
	_ =	strace $0xD0000000  }
0x3: {  	_ = 	snop  }
0x4: {  	_ = 	snop  }
0x5: {  	_ = 	snop  }
0x6: {  	_ = 	snop  }
0x7: {  	_ = 	snop  }
__scs_overlays_trampoline_lowered:
0x8: {  	[smem:$0x3FA1] =	sst s0  }
0x9: {  	[smem:$0x3FA2] =	sst s1  }
0xa: {  	[smem:$0x3FA3] =	sst s2  }
0xb: {  	[smem:$0x3FA4] =	sst s3  }
0xc: {  	[smem:$0x3FA5] =	sst s4  }
0xd: {  	[smem:$0x3FA6] =	sst s5  }
0xe: {  	[smem:$0x3FA7] =	sst s6  }
0xf: {  	[smem:$0x3FA8] =	sst s7  }
0x10: {  	[smem:$0x3FA9] =	sst s8  }
0x11: {  	[smem:$0x3FAA] =	sst s9;
	s0 =	simm.s32 @!p0 $0x0  }
0x12: {  	s1 =	sld [smem:$0x3F90];
	s0 =	simm.s32 @p0 $0x1  }
0x13: {  	[smem:$0x3FAB] =	sst s0;
	s0 =	simm.s32 @!p1 $0x0  }
0x14: {  	s2 =	sld [smem:$0x3F8F];
	s0 =	simm.s32 @p1 $0x1  }
0x15: {  	[smem:$0x3FAC] =	sst s0;
	s0 =	simm.s32 @!p2 $0x0  }
0x16: {  	s3 =	sld [smem:$0x3FDB];
	s0 =	simm.s32 @p2 $0x1  }
0x17: {  	s4 =	simm.s32 $0x1BF5;
	[smem:$0x3FAE] =	sst s0  }
0x18: {  	s0 =	sld [smem:$0x3F91];
	_ =	swait.ge [sflag:s4], $0x0  }
0x19: {  	s7 =	sld [smem:$0x3F92]  }
0x1a: {  	s8 =	sadd.s32 $0xFFFFE003, lr  }
0x1b: {  	s9 =	sadd.s32 $0xFFFFFEF7, lr;
	s5 =	simm.s32 $0xFFFFFFFF;
	p2 =	slt.u32 s8, $0xFFFFF086  }
0x1c: {  	p1 =	slt.u32 s9, $0xF7A;
	s5 =	simm.s32 @!p2 $0x0  }
0x1d: {  	s5 =	simm.s32 @p1 $0x1;
	p0 =	seq.s32 s7, s2  }
0x1e: {  	s7 =	smul.u32 @!p0 $0xF7A, s2;
	p2 =	seq.s32 @!p0 s5, $0x0  }
0x1f: {  	s9 =	smul.u32 $0xF7A, s1;
	s8 =	simm.s32 @!p0 $0x1BF5;
	p2 =	por !p2, p0  }
0x20: {  	[sflag:s8] =	ssyncset.s32 @!p0 $0xFFFFF086;
	s6 =	sadd.s32 @!p0 s3, s7;
	s7 =	simm.s32 @!p0 $0x108  }
0x21: {  	s3 =	sadd.s32 s3, s9;
	s6 =	sadd.s32 @!p0 $0x88, s6;
	s7 =	simm.s32 @p2 $0x1082  }
0x22: {  	[simem:s7], [sflag:s8] =	dma.local @!p0 [hbm:s6], $0xF7A  }
0x23: {  	s9 =	sor.u32 $0xD0000000, s2;
	s6 =	simm.s32 $0x108;
	_ =	swait.ge @!p0 [sflag:s8], $0x0  }
0x24: {  	s3 =	sadd.s32 $0x88, s3;
	s6 =	simm.s32 @!p1 $0x1082;
	[sflag:s4] =	ssyncset.s32 $0xFFFFF086  }
0x25: {  	[simem:s6], [sflag:s4] =	dma.local [hbm:s3], $0xF7A  }
0x26: {  	[smem:$0x3F92] =	sst s1;
	(tag) =	ssettag s2;
	_ =	strace s9  }
0x27: {  	s1 =	sld [smem:$0x3FA2]  }
0x28: {  	s2 =	sld [smem:$0x3FA3]  }
0x29: {  	s4 =	sld [smem:$0x3FA5]  }
0x2a: {  	p0 =	seq.s32 s5, $0x0;
	s5 =	sld [smem:$0x3FA6]  }
0x2b: {  	s6 =	sld [smem:$0x3FA7]  }
0x2c: {  	s7 =	sld [smem:$0x3FA8]  }
0x2d: {  	s3 =	simm.s32 $0x108;
	s8 =	sld [smem:$0x3FA9]  }
0x2e: {  	s3 =	simm.s32 @!p0 $0x1082;
	s9 =	sld [smem:$0x3FAA]  }
0x2f: {  	lr =	sadd.s32 s0, s3;
	s0 =	sld [smem:$0x3FA1]  }
0x30: {  	s3 =	sld [smem:$0x3FA4]  }
0x31: {  	[smem:$0x3FAD] =	sst s10  }
0x32: {  	s10 =	sld [smem:$0x3FAB];
	_ =	sdelay $0x3  }
0x33: {  	p0 =	seq.s32 s10, $0x1;
	s10 =	sld [smem:$0x3FAD];
	_ =	sdelay $0x3  }
0x34: {  	[smem:$0x3FAD] =	sst s10  }
0x35: {  	s10 =	sld [smem:$0x3FAC];
	_ =	sdelay $0x3  }
0x36: {  	p1 =	seq.s32 s10, $0x1;
	s10 =	sld [smem:$0x3FAD];
	_ =	sdelay $0x3  }
0x37: {  	[smem:$0x3FAD] =	sst s10  }
0x38: {  	s10 =	sld [smem:$0x3FAE]  }
0x39: {  	_ = 	snop;
	(pc) =	sbr.ind lr, $3  }
0x3a: {  	_ = 	snop  }
0x3b: {  	_ = 	snop  }
0x3c: {  	p2 =	seq.s32 s10, $0x1;
	s10 =	sld [smem:$0x3FAD]  }
0x3d: {  	_ =	shalt  }
0x3e: {  	_ =	shalt  }
0x3f: {  	_ =	shalt  }
0x40: {  	_ =	shalt  }
0x41: {  	_ =	shalt  }
0x42: {  	_ =	shalt  }
0x43: {  	_ =	shalt  }
0x44: {  	_ =	shalt  }
0x45: {  	_ =	shalt  }
0x46: {  	_ =	shalt  }
0x47: {  	_ =	shalt  }
0x48: {  	_ =	shalt  }
0x49: {  	_ =	shalt  }
0x4a: {  	_ =	shalt  }
0x4b: {  	_ =	shalt  }
0x4c: {  	_ =	shalt  }
0x4d: {  	_ =	shalt  }
0x4e: {  	_ =	shalt  }
0x4f: {  	_ =	shalt  }
0x50: {  	_ =	shalt  }
0x51: {  	_ =	shalt  }
0x52: {  	_ =	shalt  }
0x53: {  	_ =	shalt  }
0x54: {  	_ =	shalt  }
0x55: {  	_ =	shalt  }
0x56: {  	_ =	shalt  }
0x57: {  	_ =	shalt  }
0x58: {  	_ =	shalt  }
0x59: {  	_ =	shalt  }
0x5a: {  	_ =	shalt  }
0x5b: {  	_ =	shalt  }
0x5c: {  	_ =	shalt  }
0x5d: {  	_ =	shalt  }
0x5e: {  	_ =	shalt  }
0x5f: {  	_ =	shalt  }
0x60: {  	_ =	shalt  }
0x61: {  	_ =	shalt  }
0x62: {  	_ =	shalt  }
0x63: {  	_ =	shalt  }
0x64: {  	_ =	shalt  }
0x65: {  	_ =	shalt  }
0x66: {  	_ =	shalt  }
0x67: {  	_ =	shalt  }
0x68: {  	_ =	shalt  }
0x69: {  	_ =	shalt  }
0x6a: {  	_ =	shalt  }
0x6b: {  	_ =	shalt  }
0x6c: {  	_ =	shalt  }
0x6d: {  	_ =	shalt  }
0x6e: {  	_ =	shalt  }
0x6f: {  	_ =	shalt  }
0x70: {  	_ =	shalt  }
0x71: {  	_ =	shalt  }
0x72: {  	_ =	shalt  }
0x73: {  	_ =	shalt  }
0x74: {  	_ =	shalt  }
0x75: {  	_ =	shalt  }
0x76: {  	_ =	shalt  }
0x77: {  	_ =	shalt  }
0x78: {  	_ =	shalt  }
0x79: {  	_ =	shalt  }
0x7a: {  	_ =	shalt  }
0x7b: {  	_ =	shalt  }
0x7c: {  	_ =	shalt  }
0x7d: {  	_ =	shalt  }
0x7e: {  	_ =	shalt  }
0x7f: {  	_ =	shalt  }
0x80: {  	_ =	shalt  }
0x81: {  	_ =	shalt  }
0x82: {  	_ =	shalt  }
0x83: {  	_ =	shalt  }
0x84: {  	_ =	shalt  }
0x85: {  	_ =	shalt  }
0x86: {  	_ =	shalt  }
0x87: {  	_ =	shalt  }
.Lfunc_end0:
.L_simem_size_0:
called_computation.3_lowered:
.L_overlay_start_0:
0x88: {  	s2 =	sld [smem:$0x3FD9]  }
0x89: {  	s3 =	sld [smem:$0x3FFE];
	_ =	sdelay $0x1  }
0x8a: {  	s1 =	srdreg.scid  }
0x8b: {  	s0 =	sand.u32 $0x1, s1  }
0x8c: {  	s16 =	sshll.u32 s0, $0xA;
	s2 =	sadd.s32 s3, s2  }
0x8d: {  	s2 =	sadd.s32 s2, s16  }
0x8e: {  	[smem:$0x3FB9] =	sst s2  }
0x8f: {  	_ = 	snop  }
0x90: {  	(tm) =	ssettm $0x1  }
0x91: {  	s17 =	sld [smem:$0x3FFB];
	_ =	sdelay $0x3  }
0x92: {  	_ =	strace s17  }
0x93: {  	s2 =	sld [smem:$0x3FFC];
	_ =	sdelay $0x3  }
0x94: {  	_ =	strace s2  }
0x95: {  	s2 =	sld [smem:$0x3FFD];
	_ =	sdelay $0x3  }
0x96: {  	_ =	strace s2  }
0x97: {  	_ =	strace $0x8FFFFFFF  }
0x98: {  	s18 =	sld [smem:$0x3FDB];
	_ =	sdelay $0x1  }
0x99: {  	s19 =	simm.s32 $_scs_section_size  }
0x9a: {  	s4 =	simm.s32 $_size__tile_overlayer_lowered;
	s5 =	simm.s32 $_tile_overlayer_lowered  }
0x9b: {  	s22 =	simm.s32 $0x1BFF;
	s21 =	sshll.u32 s5, $0x1;
	s2 =	sadd.s32 s19, s18  }
0x9c: {  	s6 =	simm.s32 $0x0;
	s20 =	sshll.u32 s4, $0x1;
	s4 =	sadd.s32 s21, s2  }
0x9d: {  	[timem:s6], [sflag:s22] =	dma.local [hbm:s4], s20  }
0x9e: {  	_ =	swait.ge [sflag:s22], s20  }
0x9f: {  	s3 =	ssub.s32 $0x0, s20;
	[sflag:s22] =	ssyncset.done $0x0  }
0xa0: {  	[sflag:s22] =	ssyncadd.s32 s3;
	_ =	sdelay $0x1  }
0xa1: {  	s23 =	simm.s32 $0x1B8B  }
0xa2: {  	_ =	swait.ge [sflag:s23], $0x1  }
0xa3: {  	[sflag:s23] =	ssyncset.done $0x0  }
0xa4: {  	s25 =	simm.s32 $0x1B8E;
	s24 =	sld [smem:$0x3FFE];
	[sflag:s23] =	ssyncadd.s32 $0xFFFFFFFF  }
0xa5: {  	s26 =	simm.s32 $execute0_lowered;
	[smem:$0x3FD2] =	sst s25  }
0xa6: {  	s4 =	sshll.u32 s26, $0x1;
	_ =	strace $0x8000004F;
	[dreg:$0x1] =	wrdreg $0xFFFFFFFF  }
0xa7: {  	s28 =	simm.s32 $_size_execute0_lowered;
	s2 =	sadd.s32 s2, s4;
	[dreg:$0x0] =	wrdreg $0x0  }
0xa8: {  	s4 =	sshll.u32 s28, $0x1;
	[dreg:$0x2] =	wrdreg s2  }
0xa9: {  	[dreg:$0x3] =	wrdreg s4  }
0xaa: {  	[dreg:$0x4] =	wrdreg $0xC0  }
0xab: {  	_ =	task [dreg:s6], $0x5FFFF  }
0xac: {  	[dreg:$0x1] =	wrdreg $0xFFFFFFFF  }
0xad: {  	[dreg:$0x0] =	wrdreg $0x60  }
0xae: {  	[dreg:$0x2] =	wrdreg s24  }
0xaf: {  	[dreg:$0x3] =	wrdreg $0xA8000  }
0xb0: {  	[dreg:$0x4] =	wrdreg $0x9  }
0xb1: {  	_ =	task.clear_ibuf [dreg:s6], $0x5FFFF;
	_ =	strace $0x9000004F  }
0xb2: {  	s29 =	simm.s32 $0x9;
	_ =	strace $0x80000051  }
0xb3: {  	_ =	swait.ge [sflag:s29], $0x1  }
0xb4: {  	[sflag:s29] =	ssyncadd.s32 $0xFFFFFFFF  }
0xb5: {  	_ =	strace $0x90000051  }
0xb6: {  	_ =	sfence  }
0xb7: {  	s30 =	sld [smem:$0x0];
	_ =	sdelay $0x2  }
0xb8: {  	s31 =	sshll.u32 s1, $0xD;
	s1 =	sshrl.u32 s1, $0x2  }
0xb9: {  	s3 =	sand.u32 $0x4000, s31;
	s1 =	sadd.s32 s1, s30  }
0xba: {  	s0 =	sor.u32 s3, s0;
	s1 =	sshll.u32 s1, $0x11  }
0xbb: {  	s0 =	sor.u32 s1, s0  }
0xbc: {  	s0 =	sadd.s32 $0x8F2B, s0  }
0xbd: {  	[sflag:s0] =	ssyncadd.remote.s32 $0x1  }
0xbe: {  	_ =	sfence.sel $0xFFFF  }
0xbf: {  	[dreg:$0x0] =	wrdreg $0xFFFFFFFF;
	(pc) =	sbr.abs _section_cstart, $3  }
0xc0: {  	[dreg:$0x1] =	wrdreg $0xFFFFFFFF  }
0xc1: {  	_ =	task.clear_ibuf [dreg:s6], $0x2FFFF;
	_ =	strace $0x9FFFFFFF  }
0xc2: {  	(tm) =	ssettm $0x7FFFFFFF  }
0xc3: {  	_ =	shalt  }
tec
execute0_lowered:
.L_overlay_start_1:
0x0: {  	(tag) =	ssettag $0x1  }
0x1: {  	s6 =	rddreg [dreg:$0x0]  }
0x2: {  	s1 =	rddreg [dreg:$0x1]  }
0x3: {  	s0 =	rddreg [dreg:$0x2]  }
0x4: {  	s3 =	simm.s32 $0x0;
	s2 =	srdreg.scid;
	s13 =	simm.s32 $0x4000  }
0x5: {  	s14 =	simm.s32 $0x50;
	s15 =	simm.s32 $0x8000;
	s16 =	simm.s32 $0x1  }
0x6: {  	s17 =	simm.s32 $0x0;
	[smem:$0x7FF] =	sst s3;
	s7 =	sand.u32 $0x1, s2  }
0x7: {  	s2 =	stileid.u32;
	s4 =	sadd.s32 $0x16400, s6;
	s5 =	smul.u32 $0x140000, s7  }
0x8: {  	s8 =	sshll.u32 s2, $0xC;
	s9 =	sshll.u32 s7, $0xB;
	s10 =	smul.u32 $0x14000, s2  }
0x9: {  	_ =	strace $0x80000050;
	s29 =	smul.u32 $0x50000, s2;
	s7 =	ssub.s32 $0x2, s7  }
0xa: {  	s31 =	sshll.u32 s2, $0x6;
	s8 =	sor.u32 s9, s8;
	s30 =	sshrl.u32 s7, $0x1  }
0xb: {  	s8 =	sadd.s32 s8, s6;
	s28 =	sadd.s32 s10, s5;
	s5 =	sadd.s32 $0x13C00, s6  }
0xc: {  	s10 =	sshrl.u32 s29, $0x2;
	s11 =	ssub.s32 s7, s30;
	s9 =	sshrl.u32 s28, $0x3  }
0xd: {  	s12 =	sadd.s32 s10, s1;
	s7 =	sadd.s32 $0x66400, s8;
	s8 =	sadd.s32 $0x3C00, s8  }
0xe: {  	s10 =	smax.u32 s11, $0x1;
	s9 =	sadd.s32 s9, s6;
	s6 =	sor.u32 $0x1C02, s31  }
0xf: {  	s11 =	sshrl.u32 s12, $0x3;
	s12 =	simm.s32 $0x2;
	s9 =	sadd.s32 $0x76400, s9  }
.LBB2_1:
0x10: {  	[spmem:s11], [sflag:s6] =	dma.local [hbm:s5], $0x2800  }
0x11: {  	_ =	swait.ge [sflag:s12], $0x2800  }
0x12: {  	[sflag:s12] =	ssyncset.done $0x0  }
0x13: {  	[sflag:s12] =	ssyncadd.s32 $0xFFFFD800  }
0x14: {  	[tilespmem:s3], [sflag:$0x2] =	stream.linear.gather [hbm4b:s7+s3], $0x3E80, $0x38;
	[tilespmem:$0x1E800] =	vst v63  }
0x15: {  	_ =	swait.ge [sflag:s12], $0x3E80  }
0x16: {  	[sflag:s12] =	ssyncset.done $0x0  }
0x17: {  	[sflag:s12] =	ssyncadd.s32 $0xFFFFC180  }
0x18: {  	[tilespmem:s13], [sflag:$0x2] =	stream.linear.gather [hbm4b:s8+s3], $0x3E80, $0x38;
	[tilespmem:$0x1E800] =	vst v63  }
0x19: {  	_ =	swait.ge [sflag:s12], $0x3E80  }
0x1a: {  	[sflag:s12] =	ssyncset.done $0x0  }
0x1b: {  	[sflag:s12] =	ssyncadd.s32 $0xFFFFC180  }
0x1c: {  	s18 =	simm.s32 $0x0;
	[bflag:$0x0] =	sbarrier.arrive $0xFFFF  }
0x1d: {  	[tilespmem:s15], [sflag:$0x1] =	stream.indirect.gather [hbm4b:s4+s14], $0x80, s18, s14, $0xb8;
	[tilespmem:$0x1E800] =	vst v63  }
0x1e: {  	_ =	swait.ge [sflag:s16], $0x2800  }
0x1f: {  	[sflag:s16] =	ssyncset.done $0x0  }
0x20: {  	s31 =	simm.s32 $0x4000;
	[sflag:s16] =	ssyncadd.s32 $0xFFFFD800  }
0x21: {  	[spmem:s1] =	stream.indirect.scatter.add.f32 [tilespmem:s15], [sflag:$0x2], $0x80, s31, s14, $0xb8;
	[tilespmem:$0x1E800] =	vst v63  }
0x22: {  	_ =	swait.ge [sflag:s12], $0x2800  }
0x23: {  	s19 =	simm.s32 $0x400;
	s18 =	simm.s32 $0x200;
	[sflag:s12] =	ssyncset.done $0x0  }
.LBB2_2:
0x24: {  	s20 =	sshra.s32 s18, $0x2  }
0x25: {  	[sflag:s12] =	ssyncadd.s32 $0xFFFFD800;
	s18 =	smov.u32 s19;
	s21 =	sadd.s32 $0x200, s19  }
0x26: {  	[tilespmem:s15], [sflag:$0x1] =	stream.indirect.gather [hbm4b:s4+s14], $0x80, s20, s14, $0xb8;
	[tilespmem:$0x1E800] =	vst v63  }
0x27: {  	p0 =	sne.s32 s19, $0xF800;
	_ =	swait.ge [sflag:s16], $0x2800  }
.Ltmp0:
0x28: {  	[sflag:s16] =	ssyncset.done $0x0;
	(pc) =	sbr.rel @p0 .LBB2_2-.Ltmp0, $4  }
0x29: {  	s19 =	sadd.s32 $0x4000, s20;
	[sflag:s16] =	ssyncadd.s32 $0xFFFFD800  }
0x2a: {  	[spmem:s1] =	stream.indirect.scatter.add.f32 [tilespmem:s15], [sflag:$0x2], $0x80, s19, s14, $0xb8;
	[tilespmem:$0x1E800] =	vst v63  }
0x2b: {  	_ =	swait.ge [sflag:s12], $0x2800  }
0x2c: {  	s19 =	smov.u32 s21;
	[sflag:s12] =	ssyncset.done $0x0  }
0x2d: {  	s18 =	sshra.s32 s18, $0x2;
	[sflag:s12] =	ssyncadd.s32 $0xFFFFD800  }
0x2e: {  	[tilespmem:s15], [sflag:$0x1] =	stream.indirect.gather [hbm4b:s4+s14], $0x80, s18, s14, $0xb8;
	[tilespmem:$0x1E800] =	vst v63  }
0x2f: {  	_ =	swait.ge [sflag:s16], $0x2800  }
0x30: {  	[sflag:s16] =	ssyncset.done $0x0  }
0x31: {  	s18 =	sadd.s32 $0x4000, s18;
	[sflag:s16] =	ssyncadd.s32 $0xFFFFD800  }
0x32: {  	[spmem:s1] =	stream.indirect.scatter.add.f32 [tilespmem:s15], [sflag:$0x2], $0x80, s18, s14, $0xb8;
	[tilespmem:$0x1E800] =	vst v63  }
0x33: {  	_ =	swait.ge [sflag:s12], $0x2800  }
0x34: {  	s17 =	sadd.s32 $0x1, s17;
	[sflag:s12] =	ssyncset.done $0x0  }
0x35: {  	p0 =	sne.s32 s17, s10;
	[sflag:s12] =	ssyncadd.s32 $0xFFFFD800  }
.Ltmp1:
0x36: {  	[bflag:$0x0] =	sbarrier.arrive $0xFFFF;
	(pc) =	sbr.rel @p0 .LBB2_1-.Ltmp1, $4  }
0x37: {  	[hbm:s9], [sflag:s6] =	dma.local [spmem:s11], $0x2800  }
0x38: {  	_ =	swait.ge [sflag:s12], $0x2800  }
0x39: {  	[sflag:s12] =	ssyncset.done $0x0  }
0x3a: {  	[sflag:s12] =	ssyncadd.s32 $0xFFFFD800  }
0x3b: {  	_ =	sfence.sel $0x180000  }
0x3c: {  	[bflag:$0x0] =	sbarrier.arrive $0xFFFF  }
0x3d: {  	p0 =	sne.s32 s2, $0x0;
	_ =	strace $0x90000050  }
0x3e: {  	s0 =	sadd.s32 @!p0 $0x100000, s0;
	[bflag:$0x2] =	sbarrier.arrive $0xFFFF  }
0x3f: {  	[sflag:s0] =	ssyncadd.tile.s32 @!p0 $0x1;
	_ =	shalt  }
.Lfunc_end2:
_tile_overlayer_lowered:
.L_overlay_start_2:
0x40: {  	(tag) =	ssettag $0x2  }
0x41: {  	s0 =	rddreg [dreg:$0x0];
	s2 =	stileid.u32  }
0x42: {  	s1 =	rddreg [dreg:$0x1];
	p0 =	sne.s32 s2, $0x0  }
0x43: {  	s3 =	rddreg [dreg:$0x2];
	[bflag:$0x3] =	sbarrier.arrive $0xFFFF;
	s2 =	simm.s32 @!p0 $0x1C02  }
0x44: {  	[timem:s3], [sflag:s2] =	dma.local @!p0 [hbm:s0], s1  }
0x45: {  	s0 =	simm.s32 @!p0 $0x2  }
0x46: {  	_ =	swait.ge @!p0 [sflag:s0], s1  }
0x47: {  	s1 =	ssub.s32 @!p0 $0x0, s1;
	[sflag:s0] =	ssyncset.done @!p0 $0x0  }
0x48: {  	[sflag:s0] =	ssyncadd.s32 @!p0 s1  }
0x49: {  	[bflag:$0x3] =	sbarrier.arrive $0xFFFF  }
0x4a: {  	_ =	shalt  }

// kernel: kernel.24.cloned.1.call-start
scs
__scs_entry_jumppad:
0x0: {  	(pc) =	sbr.rel $0x88, $3  }
0x1: {  	(tag) =	ssettag $0x0;
	lr =	simm.s32 $0x1  }
0x2: {  	[smem:$0x3F92] =	sst lr;
	_ =	strace $0xD0000000  }
0x3: {  	_ = 	snop  }
0x4: {  	_ = 	snop  }
0x5: {  	_ = 	snop  }
0x6: {  	_ = 	snop  }
0x7: {  	_ = 	snop  }
__scs_overlays_trampoline_lowered:
0x8: {  	[smem:$0x3FA1] =	sst s0  }
0x9: {  	[smem:$0x3FA2] =	sst s1  }
0xa: {  	[smem:$0x3FA3] =	sst s2  }
0xb: {  	[smem:$0x3FA4] =	sst s3  }
0xc: {  	[smem:$0x3FA5] =	sst s4  }
0xd: {  	[smem:$0x3FA6] =	sst s5  }
0xe: {  	[smem:$0x3FA7] =	sst s6  }
0xf: {  	[smem:$0x3FA8] =	sst s7  }
0x10: {  	[smem:$0x3FA9] =	sst s8  }
0x11: {  	[smem:$0x3FAA] =	sst s9;
	s0 =	simm.s32 @!p0 $0x0  }
0x12: {  	s1 =	sld [smem:$0x3F90];
	s0 =	simm.s32 @p0 $0x1  }
0x13: {  	[smem:$0x3FAB] =	sst s0;
	s0 =	simm.s32 @!p1 $0x0  }
0x14: {  	s2 =	sld [smem:$0x3F8F];
	s0 =	simm.s32 @p1 $0x1  }
0x15: {  	[smem:$0x3FAC] =	sst s0;
	s0 =	simm.s32 @!p2 $0x0  }
0x16: {  	s3 =	sld [smem:$0x3FDB];
	s0 =	simm.s32 @p2 $0x1  }
0x17: {  	s4 =	simm.s32 $0x1BF5;
	[smem:$0x3FAE] =	sst s0  }
0x18: {  	s0 =	sld [smem:$0x3F91];
	_ =	swait.ge [sflag:s4], $0x0  }
0x19: {  	s7 =	sld [smem:$0x3F92]  }
0x1a: {  	s8 =	sadd.s32 $0xFFFFE003, lr  }
0x1b: {  	s9 =	sadd.s32 $0xFFFFFEF7, lr;
	s5 =	simm.s32 $0xFFFFFFFF;
	p2 =	slt.u32 s8, $0xFFFFF086  }
0x1c: {  	p1 =	slt.u32 s9, $0xF7A;
	s5 =	simm.s32 @!p2 $0x0  }
0x1d: {  	s5 =	simm.s32 @p1 $0x1;
	p0 =	seq.s32 s7, s2  }
0x1e: {  	s7 =	smul.u32 @!p0 $0xF7A, s2;
	p2 =	seq.s32 @!p0 s5, $0x0  }
0x1f: {  	s9 =	smul.u32 $0xF7A, s1;
	s8 =	simm.s32 @!p0 $0x1BF5;
	p2 =	por !p2, p0  }
0x20: {  	[sflag:s8] =	ssyncset.s32 @!p0 $0xFFFFF086;
	s6 =	sadd.s32 @!p0 s3, s7;
	s7 =	simm.s32 @!p0 $0x108  }
0x21: {  	s3 =	sadd.s32 s3, s9;
	s6 =	sadd.s32 @!p0 $0x88, s6;
	s7 =	simm.s32 @p2 $0x1082  }
0x22: {  	[simem:s7], [sflag:s8] =	dma.local @!p0 [hbm:s6], $0xF7A  }
0x23: {  	s9 =	sor.u32 $0xD0000000, s2;
	s6 =	simm.s32 $0x108;
	_ =	swait.ge @!p0 [sflag:s8], $0x0  }
0x24: {  	s3 =	sadd.s32 $0x88, s3;
	s6 =	simm.s32 @!p1 $0x1082;
	[sflag:s4] =	ssyncset.s32 $0xFFFFF086  }
0x25: {  	[simem:s6], [sflag:s4] =	dma.local [hbm:s3], $0xF7A  }
0x26: {  	[smem:$0x3F92] =	sst s1;
	(tag) =	ssettag s2;
	_ =	strace s9  }
0x27: {  	s1 =	sld [smem:$0x3FA2]  }
0x28: {  	s2 =	sld [smem:$0x3FA3]  }
0x29: {  	s4 =	sld [smem:$0x3FA5]  }
0x2a: {  	p0 =	seq.s32 s5, $0x0;
	s5 =	sld [smem:$0x3FA6]  }
0x2b: {  	s6 =	sld [smem:$0x3FA7]  }
0x2c: {  	s7 =	sld [smem:$0x3FA8]  }
0x2d: {  	s3 =	simm.s32 $0x108;
	s8 =	sld [smem:$0x3FA9]  }
0x2e: {  	s3 =	simm.s32 @!p0 $0x1082;
	s9 =	sld [smem:$0x3FAA]  }
0x2f: {  	lr =	sadd.s32 s0, s3;
	s0 =	sld [smem:$0x3FA1]  }
0x30: {  	s3 =	sld [smem:$0x3FA4]  }
0x31: {  	[smem:$0x3FAD] =	sst s10  }
0x32: {  	s10 =	sld [smem:$0x3FAB];
	_ =	sdelay $0x3  }
0x33: {  	p0 =	seq.s32 s10, $0x1;
	s10 =	sld [smem:$0x3FAD];
	_ =	sdelay $0x3  }
0x34: {  	[smem:$0x3FAD] =	sst s10  }
0x35: {  	s10 =	sld [smem:$0x3FAC];
	_ =	sdelay $0x3  }
0x36: {  	p1 =	seq.s32 s10, $0x1;
	s10 =	sld [smem:$0x3FAD];
	_ =	sdelay $0x3  }
0x37: {  	[smem:$0x3FAD] =	sst s10  }
0x38: {  	s10 =	sld [smem:$0x3FAE]  }
0x39: {  	_ = 	snop;
	(pc) =	sbr.ind lr, $3  }
0x3a: {  	_ = 	snop  }
0x3b: {  	_ = 	snop  }
0x3c: {  	p2 =	seq.s32 s10, $0x1;
	s10 =	sld [smem:$0x3FAD]  }
0x3d: {  	_ =	shalt  }
0x3e: {  	_ =	shalt  }
0x3f: {  	_ =	shalt  }
0x40: {  	_ =	shalt  }
0x41: {  	_ =	shalt  }
0x42: {  	_ =	shalt  }
0x43: {  	_ =	shalt  }
0x44: {  	_ =	shalt  }
0x45: {  	_ =	shalt  }
0x46: {  	_ =	shalt  }
0x47: {  	_ =	shalt  }
0x48: {  	_ =	shalt  }
0x49: {  	_ =	shalt  }
0x4a: {  	_ =	shalt  }
0x4b: {  	_ =	shalt  }
0x4c: {  	_ =	shalt  }
0x4d: {  	_ =	shalt  }
0x4e: {  	_ =	shalt  }
0x4f: {  	_ =	shalt  }
0x50: {  	_ =	shalt  }
0x51: {  	_ =	shalt  }
0x52: {  	_ =	shalt  }
0x53: {  	_ =	shalt  }
0x54: {  	_ =	shalt  }
0x55: {  	_ =	shalt  }
0x56: {  	_ =	shalt  }
0x57: {  	_ =	shalt  }
0x58: {  	_ =	shalt  }
0x59: {  	_ =	shalt  }
0x5a: {  	_ =	shalt  }
0x5b: {  	_ =	shalt  }
0x5c: {  	_ =	shalt  }
0x5d: {  	_ =	shalt  }
0x5e: {  	_ =	shalt  }
0x5f: {  	_ =	shalt  }
0x60: {  	_ =	shalt  }
0x61: {  	_ =	shalt  }
0x62: {  	_ =	shalt  }
0x63: {  	_ =	shalt  }
0x64: {  	_ =	shalt  }
0x65: {  	_ =	shalt  }
0x66: {  	_ =	shalt  }
0x67: {  	_ =	shalt  }
0x68: {  	_ =	shalt  }
0x69: {  	_ =	shalt  }
0x6a: {  	_ =	shalt  }
0x6b: {  	_ =	shalt  }
0x6c: {  	_ =	shalt  }
0x6d: {  	_ =	shalt  }
0x6e: {  	_ =	shalt  }
0x6f: {  	_ =	shalt  }
0x70: {  	_ =	shalt  }
0x71: {  	_ =	shalt  }
0x72: {  	_ =	shalt  }
0x73: {  	_ =	shalt  }
0x74: {  	_ =	shalt  }
0x75: {  	_ =	shalt  }
0x76: {  	_ =	shalt  }
0x77: {  	_ =	shalt  }
0x78: {  	_ =	shalt  }
0x79: {  	_ =	shalt  }
0x7a: {  	_ =	shalt  }
0x7b: {  	_ =	shalt  }
0x7c: {  	_ =	shalt  }
0x7d: {  	_ =	shalt  }
0x7e: {  	_ =	shalt  }
0x7f: {  	_ =	shalt  }
0x80: {  	_ =	shalt  }
0x81: {  	_ =	shalt  }
0x82: {  	_ =	shalt  }
0x83: {  	_ =	shalt  }
0x84: {  	_ =	shalt  }
0x85: {  	_ =	shalt  }
0x86: {  	_ =	shalt  }
0x87: {  	_ =	shalt  }
.Lfunc_end0:
.L_simem_size_0:
called_computation.4_lowered:
.L_overlay_start_0:
0x88: {  	s2 =	sld [smem:$0x3FD9]  }
0x89: {  	s3 =	sld [smem:$0x3FFE];
	_ =	sdelay $0x1  }
0x8a: {  	s1 =	srdreg.scid  }
0x8b: {  	s0 =	sand.u32 $0x1, s1  }
0x8c: {  	s16 =	sshll.u32 s0, $0xA;
	s2 =	sadd.s32 s3, s2  }
0x8d: {  	s2 =	sadd.s32 s2, s16  }
0x8e: {  	[smem:$0x3FB9] =	sst s2  }
0x8f: {  	_ = 	snop  }
0x90: {  	(tm) =	ssettm $0x1  }
0x91: {  	s17 =	sld [smem:$0x3FFB];
	_ =	sdelay $0x3  }
0x92: {  	_ =	strace s17  }
0x93: {  	s2 =	sld [smem:$0x3FFC];
	_ =	sdelay $0x3  }
0x94: {  	_ =	strace s2  }
0x95: {  	s2 =	sld [smem:$0x3FFD];
	_ =	sdelay $0x3  }
0x96: {  	_ =	strace s2  }
0x97: {  	_ =	strace $0x8FFFFFFF  }
0x98: {  	s18 =	sld [smem:$0x3FDB];
	_ =	sdelay $0x1  }
0x99: {  	s19 =	simm.s32 $_scs_section_size  }
0x9a: {  	s4 =	simm.s32 $_size__tile_overlayer_lowered;
	s5 =	simm.s32 $_tile_overlayer_lowered  }
0x9b: {  	s22 =	simm.s32 $0x1BFF;
	s21 =	sshll.u32 s5, $0x1;
	s2 =	sadd.s32 s19, s18  }
0x9c: {  	s6 =	simm.s32 $0x0;
	s20 =	sshll.u32 s4, $0x1;
	s4 =	sadd.s32 s21, s2  }
0x9d: {  	[timem:s6], [sflag:s22] =	dma.local [hbm:s4], s20  }
0x9e: {  	_ =	swait.ge [sflag:s22], s20  }
0x9f: {  	s3 =	ssub.s32 $0x0, s20;
	[sflag:s22] =	ssyncset.done $0x0  }
0xa0: {  	[sflag:s22] =	ssyncadd.s32 s3;
	_ =	sdelay $0x1  }
0xa1: {  	s23 =	simm.s32 $0x1B8B  }
0xa2: {  	_ =	swait.ge [sflag:s23], $0x1  }
0xa3: {  	[sflag:s23] =	ssyncset.done $0x0  }
0xa4: {  	s25 =	simm.s32 $0x1B8E;
	s24 =	sld [smem:$0x3FFE];
	[sflag:s23] =	ssyncadd.s32 $0xFFFFFFFF  }
0xa5: {  	s26 =	simm.s32 $execute0_lowered;
	[smem:$0x3FD2] =	sst s25  }
0xa6: {  	s4 =	sshll.u32 s26, $0x1;
	_ =	strace $0x80000052;
	[dreg:$0x1] =	wrdreg $0xFFFFFFFF  }
0xa7: {  	s28 =	simm.s32 $_size_execute0_lowered;
	s2 =	sadd.s32 s2, s4;
	[dreg:$0x0] =	wrdreg $0x0  }
0xa8: {  	s4 =	sshll.u32 s28, $0x1;
	[dreg:$0x2] =	wrdreg s2  }
0xa9: {  	[dreg:$0x3] =	wrdreg s4  }
0xaa: {  	[dreg:$0x4] =	wrdreg $0xC0  }
0xab: {  	_ =	task [dreg:s6], $0x5FFFF  }
0xac: {  	[dreg:$0x1] =	wrdreg $0xFFFFFFFF  }
0xad: {  	[dreg:$0x0] =	wrdreg $0x60  }
0xae: {  	[dreg:$0x2] =	wrdreg s24  }
0xaf: {  	[dreg:$0x3] =	wrdreg $0xA8000  }
0xb0: {  	[dreg:$0x4] =	wrdreg $0x9  }
0xb1: {  	_ =	task.clear_ibuf [dreg:s6], $0x5FFFF;
	_ =	strace $0x90000052  }
0xb2: {  	s29 =	simm.s32 $0x9;
	_ =	strace $0x80000054  }
0xb3: {  	_ =	swait.ge [sflag:s29], $0x1  }
0xb4: {  	[sflag:s29] =	ssyncadd.s32 $0xFFFFFFFF  }
0xb5: {  	_ =	strace $0x90000054  }
0xb6: {  	_ =	sfence  }
0xb7: {  	s30 =	sld [smem:$0x0];
	_ =	sdelay $0x2  }
0xb8: {  	s31 =	sshll.u32 s1, $0xD;
	s1 =	sshrl.u32 s1, $0x2  }
0xb9: {  	s3 =	sand.u32 $0x4000, s31;
	s1 =	sadd.s32 s1, s30  }
0xba: {  	s0 =	sor.u32 s3, s0;
	s1 =	sshll.u32 s1, $0x11  }
0xbb: {  	s0 =	sor.u32 s1, s0  }
0xbc: {  	s0 =	sadd.s32 $0x8F2B, s0  }
0xbd: {  	[sflag:s0] =	ssyncadd.remote.s32 $0x1  }
0xbe: {  	_ =	sfence.sel $0xFFFF  }
0xbf: {  	[dreg:$0x0] =	wrdreg $0xFFFFFFFF;
	(pc) =	sbr.abs _section_cstart, $3  }
0xc0: {  	[dreg:$0x1] =	wrdreg $0xFFFFFFFF  }
0xc1: {  	_ =	task.clear_ibuf [dreg:s6], $0x2FFFF;
	_ =	strace $0x9FFFFFFF  }
0xc2: {  	(tm) =	ssettm $0x7FFFFFFF  }
0xc3: {  	_ =	shalt  }
tec
execute0_lowered:
.L_overlay_start_1:
0x0: {  	(tag) =	ssettag $0x1  }
0x1: {  	s6 =	rddreg [dreg:$0x0]  }
0x2: {  	s1 =	rddreg [dreg:$0x1]  }
0x3: {  	s0 =	rddreg [dreg:$0x2]  }
0x4: {  	s3 =	simm.s32 $0x0;
	s2 =	srdreg.scid;
	s13 =	simm.s32 $0x4000  }
0x5: {  	s14 =	simm.s32 $0x50;
	s15 =	simm.s32 $0x8000;
	s16 =	simm.s32 $0x1  }
0x6: {  	s17 =	simm.s32 $0x0;
	[smem:$0x7FF] =	sst s3;
	s7 =	sand.u32 $0x1, s2  }
0x7: {  	s2 =	stileid.u32;
	s4 =	sadd.s32 $0x16400, s6;
	s5 =	smul.u32 $0x140000, s7  }
0x8: {  	s8 =	sshll.u32 s2, $0xC;
	s9 =	sshll.u32 s7, $0xB;
	s10 =	smul.u32 $0x14000, s2  }
0x9: {  	_ =	strace $0x80000053;
	s29 =	smul.u32 $0x50000, s2;
	s7 =	ssub.s32 $0x2, s7  }
0xa: {  	s31 =	sshll.u32 s2, $0x6;
	s8 =	sor.u32 s9, s8;
	s30 =	sshrl.u32 s7, $0x1  }
0xb: {  	s8 =	sadd.s32 s8, s6;
	s28 =	sadd.s32 s10, s5;
	s5 =	sadd.s32 $0x13C00, s6  }
0xc: {  	s10 =	sshrl.u32 s29, $0x2;
	s11 =	ssub.s32 s7, s30;
	s9 =	sshrl.u32 s28, $0x3  }
0xd: {  	s12 =	sadd.s32 s10, s1;
	s7 =	sadd.s32 $0x66400, s8;
	s8 =	sadd.s32 $0x3C00, s8  }
0xe: {  	s10 =	smax.u32 s11, $0x1;
	s9 =	sadd.s32 s9, s6;
	s6 =	sor.u32 $0x1C02, s31  }
0xf: {  	s11 =	sshrl.u32 s12, $0x3;
	s12 =	simm.s32 $0x2;
	s9 =	sadd.s32 $0x76400, s9  }
.LBB2_1:
0x10: {  	[spmem:s11], [sflag:s6] =	dma.local [hbm:s5], $0x2800  }
0x11: {  	_ =	swait.ge [sflag:s12], $0x2800  }
0x12: {  	[sflag:s12] =	ssyncset.done $0x0  }
0x13: {  	[sflag:s12] =	ssyncadd.s32 $0xFFFFD800  }
0x14: {  	[tilespmem:s3], [sflag:$0x2] =	stream.linear.gather [hbm4b:s7+s3], $0x3E80, $0x38;
	[tilespmem:$0x1E800] =	vst v63  }
0x15: {  	_ =	swait.ge [sflag:s12], $0x3E80  }
0x16: {  	[sflag:s12] =	ssyncset.done $0x0  }
0x17: {  	[sflag:s12] =	ssyncadd.s32 $0xFFFFC180  }
0x18: {  	[tilespmem:s13], [sflag:$0x2] =	stream.linear.gather [hbm4b:s8+s3], $0x3E80, $0x38;
	[tilespmem:$0x1E800] =	vst v63  }
0x19: {  	_ =	swait.ge [sflag:s12], $0x3E80  }
0x1a: {  	[sflag:s12] =	ssyncset.done $0x0  }
0x1b: {  	[sflag:s12] =	ssyncadd.s32 $0xFFFFC180  }
0x1c: {  	s18 =	simm.s32 $0x0;
	[bflag:$0x0] =	sbarrier.arrive $0xFFFF  }
0x1d: {  	[tilespmem:s15], [sflag:$0x1] =	stream.indirect.gather [hbm4b:s4+s14], $0x80, s18, s14, $0xb8;
	[tilespmem:$0x1E800] =	vst v63  }
0x1e: {  	_ =	swait.ge [sflag:s16], $0x2800  }
0x1f: {  	[sflag:s16] =	ssyncset.done $0x0  }
0x20: {  	s31 =	simm.s32 $0x4000;
	[sflag:s16] =	ssyncadd.s32 $0xFFFFD800  }
0x21: {  	[spmem:s1] =	stream.indirect.scatter.add.f32 [tilespmem:s15], [sflag:$0x2], $0x80, s31, s14, $0xb8;
	[tilespmem:$0x1E800] =	vst v63  }
0x22: {  	_ =	swait.ge [sflag:s12], $0x2800  }
0x23: {  	s19 =	simm.s32 $0x400;
	s18 =	simm.s32 $0x200;
	[sflag:s12] =	ssyncset.done $0x0  }
.LBB2_2:
0x24: {  	s20 =	sshra.s32 s18, $0x2  }
0x25: {  	[sflag:s12] =	ssyncadd.s32 $0xFFFFD800;
	s18 =	smov.u32 s19;
	s21 =	sadd.s32 $0x200, s19  }
0x26: {  	[tilespmem:s15], [sflag:$0x1] =	stream.indirect.gather [hbm4b:s4+s14], $0x80, s20, s14, $0xb8;
	[tilespmem:$0x1E800] =	vst v63  }
0x27: {  	p0 =	sne.s32 s19, $0xF800;
	_ =	swait.ge [sflag:s16], $0x2800  }
.Ltmp0:
0x28: {  	[sflag:s16] =	ssyncset.done $0x0;
	(pc) =	sbr.rel @p0 .LBB2_2-.Ltmp0, $4  }
0x29: {  	s19 =	sadd.s32 $0x4000, s20;
	[sflag:s16] =	ssyncadd.s32 $0xFFFFD800  }
0x2a: {  	[spmem:s1] =	stream.indirect.scatter.add.f32 [tilespmem:s15], [sflag:$0x2], $0x80, s19, s14, $0xb8;
	[tilespmem:$0x1E800] =	vst v63  }
0x2b: {  	_ =	swait.ge [sflag:s12], $0x2800  }
0x2c: {  	s19 =	smov.u32 s21;
	[sflag:s12] =	ssyncset.done $0x0  }
0x2d: {  	s18 =	sshra.s32 s18, $0x2;
	[sflag:s12] =	ssyncadd.s32 $0xFFFFD800  }
0x2e: {  	[tilespmem:s15], [sflag:$0x1] =	stream.indirect.gather [hbm4b:s4+s14], $0x80, s18, s14, $0xb8;
	[tilespmem:$0x1E800] =	vst v63  }
0x2f: {  	_ =	swait.ge [sflag:s16], $0x2800  }
0x30: {  	[sflag:s16] =	ssyncset.done $0x0  }
0x31: {  	s18 =	sadd.s32 $0x4000, s18;
	[sflag:s16] =	ssyncadd.s32 $0xFFFFD800  }
0x32: {  	[spmem:s1] =	stream.indirect.scatter.add.f32 [tilespmem:s15], [sflag:$0x2], $0x80, s18, s14, $0xb8;
	[tilespmem:$0x1E800] =	vst v63  }
0x33: {  	_ =	swait.ge [sflag:s12], $0x2800  }
0x34: {  	s17 =	sadd.s32 $0x1, s17;
	[sflag:s12] =	ssyncset.done $0x0  }
0x35: {  	p0 =	sne.s32 s17, s10;
	[sflag:s12] =	ssyncadd.s32 $0xFFFFD800  }
.Ltmp1:
0x36: {  	[bflag:$0x0] =	sbarrier.arrive $0xFFFF;
	(pc) =	sbr.rel @p0 .LBB2_1-.Ltmp1, $4  }
0x37: {  	[hbm:s9], [sflag:s6] =	dma.local [spmem:s11], $0x2800  }
0x38: {  	_ =	swait.ge [sflag:s12], $0x2800  }
0x39: {  	[sflag:s12] =	ssyncset.done $0x0  }
0x3a: {  	[sflag:s12] =	ssyncadd.s32 $0xFFFFD800  }
0x3b: {  	_ =	sfence.sel $0x180000  }
0x3c: {  	[bflag:$0x0] =	sbarrier.arrive $0xFFFF  }
0x3d: {  	p0 =	sne.s32 s2, $0x0;
	_ =	strace $0x90000053  }
0x3e: {  	s0 =	sadd.s32 @!p0 $0x100000, s0;
	[bflag:$0x2] =	sbarrier.arrive $0xFFFF  }
0x3f: {  	[sflag:s0] =	ssyncadd.tile.s32 @!p0 $0x1;
	_ =	shalt  }
.Lfunc_end2:
_tile_overlayer_lowered:
.L_overlay_start_2:
0x40: {  	(tag) =	ssettag $0x2  }
0x41: {  	s0 =	rddreg [dreg:$0x0];
	s2 =	stileid.u32  }
0x42: {  	s1 =	rddreg [dreg:$0x1];
	p0 =	sne.s32 s2, $0x0  }
0x43: {  	s3 =	rddreg [dreg:$0x2];
	[bflag:$0x3] =	sbarrier.arrive $0xFFFF;
	s2 =	simm.s32 @!p0 $0x1C02  }
0x44: {  	[timem:s3], [sflag:s2] =	dma.local @!p0 [hbm:s0], s1  }
0x45: {  	s0 =	simm.s32 @!p0 $0x2  }
0x46: {  	_ =	swait.ge @!p0 [sflag:s0], s1  }
0x47: {  	s1 =	ssub.s32 @!p0 $0x0, s1;
	[sflag:s0] =	ssyncset.done @!p0 $0x0  }
0x48: {  	[sflag:s0] =	ssyncadd.s32 @!p0 s1  }
0x49: {  	[bflag:$0x3] =	sbarrier.arrive $0xFFFF  }
0x4a: {  	_ =	shalt  }

</sc_bundles>
